<compile_context>
chip_gen: v7x
topology: tpu7x:2x2x1
jax: 0.10.2.dev20260603
libtpu: 0.0.44.dev20260713+nightly
codegen_flags: <defaults>
</compile_context>

<pallas_src>
import functools

import jax
import jax.numpy as jnp
from jax import lax
from jax.experimental import pallas as pl
from jax.experimental.pallas import tpu as pltpu
from jax.experimental.pallas import tpu_sc as plsc

B, P, T = 4096, 512, 50
J = 64
NW = 32
B_PER_W = B // NW
ELEMS_PER_W = B_PER_W * J


def _sc_gather(latent_t, positions):
    mesh = plsc.VectorSubcoreMesh(core_axis_name="c", subcore_axis_name="s")

    @functools.partial(
        pl.kernel,
        out_type=jax.ShapeDtypeStruct((B * J,), jnp.float32),
        mesh=mesh,
        scratch_types=[
            pltpu.VMEM((J,), jnp.int32),
            pltpu.VMEM((B_PER_W, P), jnp.float32),
            pltpu.VMEM((ELEMS_PER_W,), jnp.float32),
            [pltpu.SemaphoreType.DMA] * 3,
        ],
        compiler_params=pltpu.CompilerParams(
            needs_layout_passes=False,
            skip_device_barrier=True,
            disable_bounds_checks=True,
            disable_semaphore_checks=True,
        ),
    )
    def k(lat_hbm, pos_hbm, out_hbm, pos_v, buf_v, outst_v, sems):
        wid = lax.axis_index("s") * 2 + lax.axis_index("c")
        b0 = wid * B_PER_W
        half = B_PER_W // 2
        helems = half * J

        d0 = pltpu.async_copy(
            lat_hbm.at[0, pl.ds(b0, half)], buf_v.at[pl.ds(0, half)], sems[0]
        )
        d1 = pltpu.async_copy(
            lat_hbm.at[0, pl.ds(b0 + half, half)],
            buf_v.at[pl.ds(half, half)],
            sems[1],
        )
        pltpu.sync_copy(pos_hbm, pos_v)

        p0 = pos_v[pl.ds(0, 16)]
        p1 = pos_v[pl.ds(16, 16)]
        p2 = pos_v[pl.ds(32, 16)]
        p3 = pos_v[pl.ds(48, 16)]

        def extract(bl, carry):
            q0, q1, q2, q3 = carry
            row = jnp.full((16,), bl, jnp.int32)
            outst_v[pl.ds(bl * J, 16)] = plsc.load_gather(buf_v, [row, q0])
            outst_v[pl.ds(bl * J + 16, 16)] = plsc.load_gather(buf_v, [row, q1])
            outst_v[pl.ds(bl * J + 32, 16)] = plsc.load_gather(buf_v, [row, q2])
            outst_v[pl.ds(bl * J + 48, 16)] = plsc.load_gather(buf_v, [row, q3])
            return carry

        d0.wait()
        lax.fori_loop(0, half, extract, (p0, p1, p2, p3), unroll=4)
        do0 = pltpu.async_copy(
            outst_v.at[pl.ds(0, helems)],
            out_hbm.at[pl.ds(wid * ELEMS_PER_W, helems)],
            sems[2],
        )
        d1.wait()
        lax.fori_loop(half, B_PER_W, extract, (p0, p1, p2, p3), unroll=4)
        pltpu.sync_copy(
            outst_v.at[pl.ds(helems, helems)],
            out_hbm.at[pl.ds(wid * ELEMS_PER_W + helems, helems)],
        )
        do0.wait()

    return k(latent_t, positions)


@jax.jit
def kernel(latent_space, bit_positions):
    latent_t = jnp.transpose(latent_space, (2, 0, 1))
    positions = bit_positions.astype(jnp.int32)
    out = _sc_gather(latent_t, positions)
    return out.reshape(B, J)

# --- scband reference (transcript-rebuilt; emitter-appended) ---
"""Pipeline reference for scband-latent2-msg-2164663517619 (READ-ONLY COPY).

The authoritative reference and input builder live on the scoring server;
editing this copy changes nothing except your own understanding.
"""

import jax, jax.numpy as jnp
import numpy as np


def setup_inputs(seed: int = 0) -> dict:
    key = jax.random.key(seed)
    k1, k2 = jax.random.split(key)
    latent_space = jax.random.normal(k1, (4096, 512, 50), dtype=jnp.float32)
    bit_positions = jax.random.randint(k2, (64,), 0, 512, dtype=jnp.int64 if jax.config.jax_enable_x64 else jnp.int32)
    return {"latent_space": latent_space, "bit_positions": bit_positions}


def reference(latent_space, bit_positions):
    # extracted_bits = latent_space[:, bit_positions, 0]
    # gather along axis=1, then select time step 0
    extracted_bits = jnp.take(latent_space[:, :, 0], bit_positions, axis=1)
    return extracted_bits

if __name__ == "__main__":
    import jax
    _d = setup_inputs()
    print(jax.jit(kernel)(*tuple(_d.values())))

</pallas_src>

<mosaic_0001>
#map = affine_map<(d0, d1) -> (0, 0, 0)>
#map1 = affine_map<(d0, d1) -> (0)>
module attributes {stable_mosaic.version = 14 : i64} {
  func.func @k(%arg0: i32, %arg1: i32, %arg2: memref<50x4096x512xf32, #tpu.memory_space<hbm>>, %arg3: memref<64xi32, #tpu.memory_space<hbm>>, %arg4: memref<262144xf32, #tpu.memory_space<hbm>>, %arg5: memref<64xi32, #tpu.memory_space<vmem>>, %arg6: memref<128x512xf32, #tpu.memory_space<vmem>>, %arg7: memref<8192xf32, #tpu.memory_space<vmem>>, %arg8: memref<!tpu.dma_semaphore, #tpu.memory_space<semaphore_mem>>, %arg9: memref<!tpu.dma_semaphore, #tpu.memory_space<semaphore_mem>>, %arg10: memref<!tpu.dma_semaphore, #tpu.memory_space<semaphore_mem>>) attributes {dimension_semantics = [#tpu.dimension_semantics<core_parallel>, #tpu.dimension_semantics<subcore_parallel>], iteration_bounds = array<i64: 2, 16>, scalar_prefetch = 0 : i64, scratch_operands = 6 : i64, tpu.core_type = #tpu.core_type<sc_vector_subcore>, window_params = [{transform_indices = #map}, {transform_indices = #map1}, {transform_indices = #map1}]} {
    %mul3A = arith.constant 2 : i32
    %mul3A_0 = arith.muli %arg1, %mul3A : i32
    %add3A = arith.addi %mul3A_0, %arg0 : i32
    %mul3A_1 = arith.constant 128 : i32
    %mul3A_2 = arith.muli %add3A, %mul3A_1 : i32
    %dma_start3A = arith.constant 0 : i32
    %dma_start3A_3 = arith.constant 0 : i32
    %dma_start3A_4 = arith.constant 0 : i32
    %dma_start3A_5 = tpu.memref_slice %arg6[%dma_start3A_3, %dma_start3A_4] : memref<128x512xf32, #tpu.memory_space<vmem>> -> memref<64x512xf32, #tpu.memory_space<vmem>>
    %dma_start3A_6 = arith.constant 0 : i32
    %dma_start3A_7 = tpu.memref_slice %arg2[%dma_start3A, %mul3A_2, %dma_start3A_6] : memref<50x4096x512xf32, #tpu.memory_space<hbm>> -> memref<1x64x512xf32, #tpu.memory_space<hbm>>
    %dma_start3A_8 = tpu.memref_squeeze %dma_start3A_7 : memref<1x64x512xf32, #tpu.memory_space<hbm>> -> memref<64x512xf32, #tpu.memory_space<hbm>>
    %dma_start3A_9 = arith.constant 0 : i32
    %dma_start3A_10 = arith.constant 0 : i32
    %dma_start3A_11 = tpu.memref_slice %arg6[%dma_start3A_9, %dma_start3A_10] : memref<128x512xf32, #tpu.memory_space<vmem>> -> memref<64x512xf32, #tpu.memory_space<vmem>>
    %dma_start3A_12 = arith.constant 0 : i32
    %dma_start3A_13 = tpu.memref_slice %arg2[%dma_start3A, %mul3A_2, %dma_start3A_12] : memref<50x4096x512xf32, #tpu.memory_space<hbm>> -> memref<1x64x512xf32, #tpu.memory_space<hbm>>
    %dma_start3A_14 = tpu.memref_squeeze %dma_start3A_13 : memref<1x64x512xf32, #tpu.memory_space<hbm>> -> memref<64x512xf32, #tpu.memory_space<hbm>>
    tpu.enqueue_dma source(%dma_start3A_14 : memref<64x512xf32, #tpu.memory_space<hbm>>) target(%dma_start3A_11 : memref<64x512xf32, #tpu.memory_space<vmem>>) target_semaphore(%arg8 : memref<!tpu.dma_semaphore, #tpu.memory_space<semaphore_mem>>)
    %add3A_15 = arith.constant 64 : i32
    %add3A_16 = arith.addi %mul3A_2, %add3A_15 : i32
    %dma_start3A_17 = arith.constant 0 : i32
    %dma_start3A_18 = arith.constant 64 : i32
    %dma_start3A_19 = arith.constant 0 : i32
    %dma_start3A_20 = tpu.memref_slice %arg6[%dma_start3A_18, %dma_start3A_19] : memref<128x512xf32, #tpu.memory_space<vmem>> -> memref<64x512xf32, #tpu.memory_space<vmem>>
    %dma_start3A_21 = arith.constant 0 : i32
    %dma_start3A_22 = tpu.memref_slice %arg2[%dma_start3A_17, %add3A_16, %dma_start3A_21] : memref<50x4096x512xf32, #tpu.memory_space<hbm>> -> memref<1x64x512xf32, #tpu.memory_space<hbm>>
    %dma_start3A_23 = tpu.memref_squeeze %dma_start3A_22 : memref<1x64x512xf32, #tpu.memory_space<hbm>> -> memref<64x512xf32, #tpu.memory_space<hbm>>
    %dma_start3A_24 = arith.constant 64 : i32
    %dma_start3A_25 = arith.constant 0 : i32
    %dma_start3A_26 = tpu.memref_slice %arg6[%dma_start3A_24, %dma_start3A_25] : memref<128x512xf32, #tpu.memory_space<vmem>> -> memref<64x512xf32, #tpu.memory_space<vmem>>
    %dma_start3A_27 = arith.constant 0 : i32
    %dma_start3A_28 = tpu.memref_slice %arg2[%dma_start3A_17, %add3A_16, %dma_start3A_27] : memref<50x4096x512xf32, #tpu.memory_space<hbm>> -> memref<1x64x512xf32, #tpu.memory_space<hbm>>
    %dma_start3A_29 = tpu.memref_squeeze %dma_start3A_28 : memref<1x64x512xf32, #tpu.memory_space<hbm>> -> memref<64x512xf32, #tpu.memory_space<hbm>>
    tpu.enqueue_dma source(%dma_start3A_29 : memref<64x512xf32, #tpu.memory_space<hbm>>) target(%dma_start3A_26 : memref<64x512xf32, #tpu.memory_space<vmem>>) target_semaphore(%arg9 : memref<!tpu.dma_semaphore, #tpu.memory_space<semaphore_mem>>)
    "tpu.region"() ({
      %run_scoped3A = tpu.sem_alloc : memref<!tpu.dma_semaphore, #tpu.memory_space<semaphore_mem>>
      tpu.enqueue_dma source(%arg3 : memref<64xi32, #tpu.memory_space<hbm>>) target(%arg5 : memref<64xi32, #tpu.memory_space<vmem>>) target_semaphore(%run_scoped3A : memref<!tpu.dma_semaphore, #tpu.memory_space<semaphore_mem>>)
      tpu.wait_dma2 semaphore(%run_scoped3A : memref<!tpu.dma_semaphore, #tpu.memory_space<semaphore_mem>>) src(%arg3 : memref<64xi32, #tpu.memory_space<hbm>>) dst(%arg5 : memref<64xi32, #tpu.memory_space<vmem>>)
      tpu.yield
    }) : () -> ()
    %get3A = arith.constant 0 : index
    %get3A_30 = tpu.vector_load %arg5[%get3A] {strides = array<i32>} : memref<64xi32, #tpu.memory_space<vmem>>, vector<16xi32>,
    %get3A_31 = arith.constant 16 : index
    %get3A_32 = tpu.vector_load %arg5[%get3A_31] {strides = array<i32>} : memref<64xi32, #tpu.memory_space<vmem>>, vector<16xi32>,
    %get3A_33 = arith.constant 32 : index
    %get3A_34 = tpu.vector_load %arg5[%get3A_33] {strides = array<i32>} : memref<64xi32, #tpu.memory_space<vmem>>, vector<16xi32>,
    %get3A_35 = arith.constant 48 : index
    %get3A_36 = tpu.vector_load %arg5[%get3A_35] {strides = array<i32>} : memref<64xi32, #tpu.memory_space<vmem>>, vector<16xi32>,
    %dma_wait3A = arith.constant 0 : i32
    %dma_wait3A_37 = arith.constant 0 : i32
    %dma_wait3A_38 = arith.constant 0 : i32
    %dma_wait3A_39 = tpu.memref_slice %arg6[%dma_wait3A_37, %dma_wait3A_38] : memref<128x512xf32, #tpu.memory_space<vmem>> -> memref<64x512xf32, #tpu.memory_space<vmem>>
    %dma_wait3A_40 = arith.constant 0 : i32
    %dma_wait3A_41 = tpu.memref_slice %arg2[%dma_wait3A, %mul3A_2, %dma_wait3A_40] : memref<50x4096x512xf32, #tpu.memory_space<hbm>> -> memref<1x64x512xf32, #tpu.memory_space<hbm>>
    %dma_wait3A_42 = tpu.memref_squeeze %dma_wait3A_41 : memref<1x64x512xf32, #tpu.memory_space<hbm>> -> memref<64x512xf32, #tpu.memory_space<hbm>>
    %dma_wait3A_43 = arith.constant 0 : i32
    %dma_wait3A_44 = arith.constant 0 : i32
    %dma_wait3A_45 = tpu.memref_slice %arg6[%dma_wait3A_43, %dma_wait3A_44] : memref<128x512xf32, #tpu.memory_space<vmem>> -> memref<64x512xf32, #tpu.memory_space<vmem>>
    %dma_wait3A_46 = arith.constant 0 : i32
    %dma_wait3A_47 = tpu.memref_slice %arg2[%dma_wait3A, %mul3A_2, %dma_wait3A_46] : memref<50x4096x512xf32, #tpu.memory_space<hbm>> -> memref<1x64x512xf32, #tpu.memory_space<hbm>>
    %dma_wait3A_48 = tpu.memref_squeeze %dma_wait3A_47 : memref<1x64x512xf32, #tpu.memory_space<hbm>> -> memref<64x512xf32, #tpu.memory_space<hbm>>
    tpu.wait_dma2 semaphore(%arg8 : memref<!tpu.dma_semaphore, #tpu.memory_space<semaphore_mem>>) src(%dma_wait3A_48 : memref<64x512xf32, #tpu.memory_space<hbm>>) dst(%dma_wait3A_45 : memref<64x512xf32, #tpu.memory_space<vmem>>)
    %scan3A = arith.constant 0 : i32
    %scan3A_49 = arith.constant 64 : i32
    %scan3A_50 = arith.addi %scan3A, %scan3A_49 : i32
    %scan3A_51 = arith.constant 4 : i32
    scf.for %scan3A_89 = %scan3A to %scan3A_50 step %scan3A_51  : i32 {
      %broadcast_in_dim3A = vector.broadcast %scan3A_89 : i32 to vector<16xi32>
      %gather3A = tpu.vector_load_idx %arg6[%broadcast_in_dim3A, %get3A_30] : memref<128x512xf32, #tpu.memory_space<vmem>>[vector<16xi32>, vector<16xi32>], vector<16xf32>,
      %mul3A_90 = arith.constant 64 : i32
      %mul3A_91 = arith.muli %scan3A_89, %mul3A_90 : i32
      %swap3A = arith.index_cast %mul3A_91 : i32 to index
      %swap3A_92 = tpu.vector_load %arg7[%swap3A] {strides = array<i32>} : memref<8192xf32, #tpu.memory_space<vmem>>, vector<16xf32>,
      tpu.vector_store %arg7[%swap3A], %gather3A {strides = array<i32>} : memref<8192xf32, #tpu.memory_space<vmem>>, vector<16xf32>,
      %gather3A_93 = tpu.vector_load_idx %arg6[%broadcast_in_dim3A, %get3A_32] : memref<128x512xf32, #tpu.memory_space<vmem>>[vector<16xi32>, vector<16xi32>], vector<16xf32>,
      %mul3A_94 = arith.constant 64 : i32
      %mul3A_95 = arith.muli %scan3A_89, %mul3A_94 : i32
      %add3A_96 = arith.constant 16 : i32
      %add3A_97 = arith.addi %mul3A_95, %add3A_96 : i32
      %swap3A_98 = arith.index_cast %add3A_97 : i32 to index
      %swap3A_99 = tpu.vector_load %arg7[%swap3A_98] {strides = array<i32>} : memref<8192xf32, #tpu.memory_space<vmem>>, vector<16xf32>,
      tpu.vector_store %arg7[%swap3A_98], %gather3A_93 {strides = array<i32>} : memref<8192xf32, #tpu.memory_space<vmem>>, vector<16xf32>,
      %gather3A_100 = tpu.vector_load_idx %arg6[%broadcast_in_dim3A, %get3A_34] : memref<128x512xf32, #tpu.memory_space<vmem>>[vector<16xi32>, vector<16xi32>], vector<16xf32>,
      %mul3A_101 = arith.constant 64 : i32
      %mul3A_102 = arith.muli %scan3A_89, %mul3A_101 : i32
      %add3A_103 = arith.constant 32 : i32
      %add3A_104 = arith.addi %mul3A_102, %add3A_103 : i32
      %swap3A_105 = arith.index_cast %add3A_104 : i32 to index
      %swap3A_106 = tpu.vector_load %arg7[%swap3A_105] {strides = array<i32>} : memref<8192xf32, #tpu.memory_space<vmem>>, vector<16xf32>,
      tpu.vector_store %arg7[%swap3A_105], %gather3A_100 {strides = array<i32>} : memref<8192xf32, #tpu.memory_space<vmem>>, vector<16xf32>,
      %gather3A_107 = tpu.vector_load_idx %arg6[%broadcast_in_dim3A, %get3A_36] : memref<128x512xf32, #tpu.memory_space<vmem>>[vector<16xi32>, vector<16xi32>], vector<16xf32>,
      %mul3A_108 = arith.constant 64 : i32
      %mul3A_109 = arith.muli %scan3A_89, %mul3A_108 : i32
      %add3A_110 = arith.constant 48 : i32
      %add3A_111 = arith.addi %mul3A_109, %add3A_110 : i32
      %swap3A_112 = arith.index_cast %add3A_111 : i32 to index
      %swap3A_113 = tpu.vector_load %arg7[%swap3A_112] {strides = array<i32>} : memref<8192xf32, #tpu.memory_space<vmem>>, vector<16xf32>,
      tpu.vector_store %arg7[%swap3A_112], %gather3A_107 {strides = array<i32>} : memref<8192xf32, #tpu.memory_space<vmem>>, vector<16xf32>,
      %scan3A_114 = arith.constant 1 : i32
      %scan3A_115 = arith.addi %scan3A_89, %scan3A_114 : i32
      %broadcast_in_dim3A_116 = vector.broadcast %scan3A_115 : i32 to vector<16xi32>
      %gather3A_117 = tpu.vector_load_idx %arg6[%broadcast_in_dim3A_116, %get3A_30] : memref<128x512xf32, #tpu.memory_space<vmem>>[vector<16xi32>, vector<16xi32>], vector<16xf32>,
      %mul3A_118 = arith.constant 64 : i32
      %mul3A_119 = arith.muli %scan3A_115, %mul3A_118 : i32
      %swap3A_120 = arith.index_cast %mul3A_119 : i32 to index
      %swap3A_121 = tpu.vector_load %arg7[%swap3A_120] {strides = array<i32>} : memref<8192xf32, #tpu.memory_space<vmem>>, vector<16xf32>,
      tpu.vector_store %arg7[%swap3A_120], %gather3A_117 {strides = array<i32>} : memref<8192xf32, #tpu.memory_space<vmem>>, vector<16xf32>,
      %gather3A_122 = tpu.vector_load_idx %arg6[%broadcast_in_dim3A_116, %get3A_32] : memref<128x512xf32, #tpu.memory_space<vmem>>[vector<16xi32>, vector<16xi32>], vector<16xf32>,
      %mul3A_123 = arith.constant 64 : i32
      %mul3A_124 = arith.muli %scan3A_115, %mul3A_123 : i32
      %add3A_125 = arith.constant 16 : i32
      %add3A_126 = arith.addi %mul3A_124, %add3A_125 : i32
      %swap3A_127 = arith.index_cast %add3A_126 : i32 to index
      %swap3A_128 = tpu.vector_load %arg7[%swap3A_127] {strides = array<i32>} : memref<8192xf32, #tpu.memory_space<vmem>>, vector<16xf32>,
      tpu.vector_store %arg7[%swap3A_127], %gather3A_122 {strides = array<i32>} : memref<8192xf32, #tpu.memory_space<vmem>>, vector<16xf32>,
      %gather3A_129 = tpu.vector_load_idx %arg6[%broadcast_in_dim3A_116, %get3A_34] : memref<128x512xf32, #tpu.memory_space<vmem>>[vector<16xi32>, vector<16xi32>], vector<16xf32>,
      %mul3A_130 = arith.constant 64 : i32
      %mul3A_131 = arith.muli %scan3A_115, %mul3A_130 : i32
      %add3A_132 = arith.constant 32 : i32
      %add3A_133 = arith.addi %mul3A_131, %add3A_132 : i32
      %swap3A_134 = arith.index_cast %add3A_133 : i32 to index
      %swap3A_135 = tpu.vector_load %arg7[%swap3A_134] {strides = array<i32>} : memref<8192xf32, #tpu.memory_space<vmem>>, vector<16xf32>,
      tpu.vector_store %arg7[%swap3A_134], %gather3A_129 {strides = array<i32>} : memref<8192xf32, #tpu.memory_space<vmem>>, vector<16xf32>,
      %gather3A_136 = tpu.vector_load_idx %arg6[%broadcast_in_dim3A_116, %get3A_36] : memref<128x512xf32, #tpu.memory_space<vmem>>[vector<16xi32>, vector<16xi32>], vector<16xf32>,
      %mul3A_137 = arith.constant 64 : i32
      %mul3A_138 = arith.muli %scan3A_115, %mul3A_137 : i32
      %add3A_139 = arith.constant 48 : i32
      %add3A_140 = arith.addi %mul3A_138, %add3A_139 : i32
      %swap3A_141 = arith.index_cast %add3A_140 : i32 to index
      %swap3A_142 = tpu.vector_load %arg7[%swap3A_141] {strides = array<i32>} : memref<8192xf32, #tpu.memory_space<vmem>>, vector<16xf32>,
      tpu.vector_store %arg7[%swap3A_141], %gather3A_136 {strides = array<i32>} : memref<8192xf32, #tpu.memory_space<vmem>>, vector<16xf32>,
      %scan3A_143 = arith.constant 2 : i32
      %scan3A_144 = arith.addi %scan3A_89, %scan3A_143 : i32
      %broadcast_in_dim3A_145 = vector.broadcast %scan3A_144 : i32 to vector<16xi32>
      %gather3A_146 = tpu.vector_load_idx %arg6[%broadcast_in_dim3A_145, %get3A_30] : memref<128x512xf32, #tpu.memory_space<vmem>>[vector<16xi32>, vector<16xi32>], vector<16xf32>,
      %mul3A_147 = arith.constant 64 : i32
      %mul3A_148 = arith.muli %scan3A_144, %mul3A_147 : i32
      %swap3A_149 = arith.index_cast %mul3A_148 : i32 to index
      %swap3A_150 = tpu.vector_load %arg7[%swap3A_149] {strides = array<i32>} : memref<8192xf32, #tpu.memory_space<vmem>>, vector<16xf32>,
      tpu.vector_store %arg7[%swap3A_149], %gather3A_146 {strides = array<i32>} : memref<8192xf32, #tpu.memory_space<vmem>>, vector<16xf32>,
      %gather3A_151 = tpu.vector_load_idx %arg6[%broadcast_in_dim3A_145, %get3A_32] : memref<128x512xf32, #tpu.memory_space<vmem>>[vector<16xi32>, vector<16xi32>], vector<16xf32>,
      %mul3A_152 = arith.constant 64 : i32
      %mul3A_153 = arith.muli %scan3A_144, %mul3A_152 : i32
      %add3A_154 = arith.constant 16 : i32
      %add3A_155 = arith.addi %mul3A_153, %add3A_154 : i32
      %swap3A_156 = arith.index_cast %add3A_155 : i32 to index
      %swap3A_157 = tpu.vector_load %arg7[%swap3A_156] {strides = array<i32>} : memref<8192xf32, #tpu.memory_space<vmem>>, vector<16xf32>,
      tpu.vector_store %arg7[%swap3A_156], %gather3A_151 {strides = array<i32>} : memref<8192xf32, #tpu.memory_space<vmem>>, vector<16xf32>,
      %gather3A_158 = tpu.vector_load_idx %arg6[%broadcast_in_dim3A_145, %get3A_34] : memref<128x512xf32, #tpu.memory_space<vmem>>[vector<16xi32>, vector<16xi32>], vector<16xf32>,
      %mul3A_159 = arith.constant 64 : i32
      %mul3A_160 = arith.muli %scan3A_144, %mul3A_159 : i32
      %add3A_161 = arith.constant 32 : i32
      %add3A_162 = arith.addi %mul3A_160, %add3A_161 : i32
      %swap3A_163 = arith.index_cast %add3A_162 : i32 to index
      %swap3A_164 = tpu.vector_load %arg7[%swap3A_163] {strides = array<i32>} : memref<8192xf32, #tpu.memory_space<vmem>>, vector<16xf32>,
      tpu.vector_store %arg7[%swap3A_163], %gather3A_158 {strides = array<i32>} : memref<8192xf32, #tpu.memory_space<vmem>>, vector<16xf32>,
      %gather3A_165 = tpu.vector_load_idx %arg6[%broadcast_in_dim3A_145, %get3A_36] : memref<128x512xf32, #tpu.memory_space<vmem>>[vector<16xi32>, vector<16xi32>], vector<16xf32>,
      %mul3A_166 = arith.constant 64 : i32
      %mul3A_167 = arith.muli %scan3A_144, %mul3A_166 : i32
      %add3A_168 = arith.constant 48 : i32
      %add3A_169 = arith.addi %mul3A_167, %add3A_168 : i32
      %swap3A_170 = arith.index_cast %add3A_169 : i32 to index
      %swap3A_171 = tpu.vector_load %arg7[%swap3A_170] {strides = array<i32>} : memref<8192xf32, #tpu.memory_space<vmem>>, vector<16xf32>,
      tpu.vector_store %arg7[%swap3A_170], %gather3A_165 {strides = array<i32>} : memref<8192xf32, #tpu.memory_space<vmem>>, vector<16xf32>,
      %scan3A_172 = arith.constant 3 : i32
      %scan3A_173 = arith.addi %scan3A_89, %scan3A_172 : i32
      %broadcast_in_dim3A_174 = vector.broadcast %scan3A_173 : i32 to vector<16xi32>
      %gather3A_175 = tpu.vector_load_idx %arg6[%broadcast_in_dim3A_174, %get3A_30] : memref<128x512xf32, #tpu.memory_space<vmem>>[vector<16xi32>, vector<16xi32>], vector<16xf32>,
      %mul3A_176 = arith.constant 64 : i32
      %mul3A_177 = arith.muli %scan3A_173, %mul3A_176 : i32
      %swap3A_178 = arith.index_cast %mul3A_177 : i32 to index
      %swap3A_179 = tpu.vector_load %arg7[%swap3A_178] {strides = array<i32>} : memref<8192xf32, #tpu.memory_space<vmem>>, vector<16xf32>,
      tpu.vector_store %arg7[%swap3A_178], %gather3A_175 {strides = array<i32>} : memref<8192xf32, #tpu.memory_space<vmem>>, vector<16xf32>,
      %gather3A_180 = tpu.vector_load_idx %arg6[%broadcast_in_dim3A_174, %get3A_32] : memref<128x512xf32, #tpu.memory_space<vmem>>[vector<16xi32>, vector<16xi32>], vector<16xf32>,
      %mul3A_181 = arith.constant 64 : i32
      %mul3A_182 = arith.muli %scan3A_173, %mul3A_181 : i32
      %add3A_183 = arith.constant 16 : i32
      %add3A_184 = arith.addi %mul3A_182, %add3A_183 : i32
      %swap3A_185 = arith.index_cast %add3A_184 : i32 to index
      %swap3A_186 = tpu.vector_load %arg7[%swap3A_185] {strides = array<i32>} : memref<8192xf32, #tpu.memory_space<vmem>>, vector<16xf32>,
      tpu.vector_store %arg7[%swap3A_185], %gather3A_180 {strides = array<i32>} : memref<8192xf32, #tpu.memory_space<vmem>>, vector<16xf32>,
      %gather3A_187 = tpu.vector_load_idx %arg6[%broadcast_in_dim3A_174, %get3A_34] : memref<128x512xf32, #tpu.memory_space<vmem>>[vector<16xi32>, vector<16xi32>], vector<16xf32>,
      %mul3A_188 = arith.constant 64 : i32
      %mul3A_189 = arith.muli %scan3A_173, %mul3A_188 : i32
      %add3A_190 = arith.constant 32 : i32
      %add3A_191 = arith.addi %mul3A_189, %add3A_190 : i32
      %swap3A_192 = arith.index_cast %add3A_191 : i32 to index
      %swap3A_193 = tpu.vector_load %arg7[%swap3A_192] {strides = array<i32>} : memref<8192xf32, #tpu.memory_space<vmem>>, vector<16xf32>,
      tpu.vector_store %arg7[%swap3A_192], %gather3A_187 {strides = array<i32>} : memref<8192xf32, #tpu.memory_space<vmem>>, vector<16xf32>,
      %gather3A_194 = tpu.vector_load_idx %arg6[%broadcast_in_dim3A_174, %get3A_36] : memref<128x512xf32, #tpu.memory_space<vmem>>[vector<16xi32>, vector<16xi32>], vector<16xf32>,
      %mul3A_195 = arith.constant 64 : i32
      %mul3A_196 = arith.muli %scan3A_173, %mul3A_195 : i32
      %add3A_197 = arith.constant 48 : i32
      %add3A_198 = arith.addi %mul3A_196, %add3A_197 : i32
      %swap3A_199 = arith.index_cast %add3A_198 : i32 to index
      %swap3A_200 = tpu.vector_load %arg7[%swap3A_199] {strides = array<i32>} : memref<8192xf32, #tpu.memory_space<vmem>>, vector<16xf32>,
      tpu.vector_store %arg7[%swap3A_199], %gather3A_194 {strides = array<i32>} : memref<8192xf32, #tpu.memory_space<vmem>>, vector<16xf32>,
    }
    %scan3A_52 = arith.constant 64 : i32
    %mul3A_53 = arith.constant 8192 : i32
    %mul3A_54 = arith.muli %add3A, %mul3A_53 : i32
    %dma_start3A_55 = arith.constant 0 : i32
    %dma_start3A_56 = tpu.memref_slice %arg7[%dma_start3A_55] : memref<8192xf32, #tpu.memory_space<vmem>> -> memref<4096xf32, #tpu.memory_space<vmem>>
    %dma_start3A_57 = tpu.memref_slice %arg4[%mul3A_54] : memref<262144xf32, #tpu.memory_space<hbm>> -> memref<4096xf32, #tpu.memory_space<hbm>>
    %dma_start3A_58 = tpu.memref_slice %arg4[%mul3A_54] : memref<262144xf32, #tpu.memory_space<hbm>> -> memref<4096xf32, #tpu.memory_space<hbm>>
    %dma_start3A_59 = arith.constant 0 : i32
    %dma_start3A_60 = tpu.memref_slice %arg7[%dma_start3A_59] : memref<8192xf32, #tpu.memory_space<vmem>> -> memref<4096xf32, #tpu.memory_space<vmem>>
    tpu.enqueue_dma source(%dma_start3A_60 : memref<4096xf32, #tpu.memory_space<vmem>>) target(%dma_start3A_58 : memref<4096xf32, #tpu.memory_space<hbm>>) target_semaphore(%arg10 : memref<!tpu.dma_semaphore, #tpu.memory_space<semaphore_mem>>)
    %dma_wait3A_61 = arith.constant 0 : i32
    %dma_wait3A_62 = arith.constant 64 : i32
    %dma_wait3A_63 = arith.constant 0 : i32
    %dma_wait3A_64 = tpu.memref_slice %arg6[%dma_wait3A_62, %dma_wait3A_63] : memref<128x512xf32, #tpu.memory_space<vmem>> -> memref<64x512xf32, #tpu.memory_space<vmem>>
    %dma_wait3A_65 = arith.constant 0 : i32
    %dma_wait3A_66 = tpu.memref_slice %arg2[%dma_wait3A_61, %add3A_16, %dma_wait3A_65] : memref<50x4096x512xf32, #tpu.memory_space<hbm>> -> memref<1x64x512xf32, #tpu.memory_space<hbm>>
    %dma_wait3A_67 = tpu.memref_squeeze %dma_wait3A_66 : memref<1x64x512xf32, #tpu.memory_space<hbm>> -> memref<64x512xf32, #tpu.memory_space<hbm>>
    %dma_wait3A_68 = arith.constant 64 : i32
    %dma_wait3A_69 = arith.constant 0 : i32
    %dma_wait3A_70 = tpu.memref_slice %arg6[%dma_wait3A_68, %dma_wait3A_69] : memref<128x512xf32, #tpu.memory_space<vmem>> -> memref<64x512xf32, #tpu.memory_space<vmem>>
    %dma_wait3A_71 = arith.constant 0 : i32
    %dma_wait3A_72 = tpu.memref_slice %arg2[%dma_wait3A_61, %add3A_16, %dma_wait3A_71] : memref<50x4096x512xf32, #tpu.memory_space<hbm>> -> memref<1x64x512xf32, #tpu.memory_space<hbm>>
    %dma_wait3A_73 = tpu.memref_squeeze %dma_wait3A_72 : memref<1x64x512xf32, #tpu.memory_space<hbm>> -> memref<64x512xf32, #tpu.memory_space<hbm>>
    tpu.wait_dma2 semaphore(%arg9 : memref<!tpu.dma_semaphore, #tpu.memory_space<semaphore_mem>>) src(%dma_wait3A_73 : memref<64x512xf32, #tpu.memory_space<hbm>>) dst(%dma_wait3A_70 : memref<64x512xf32, #tpu.memory_space<vmem>>)
    %scan3A_74 = arith.constant 64 : i32
    %scan3A_75 = arith.constant 64 : i32
    %scan3A_76 = arith.addi %scan3A_74, %scan3A_75 : i32
    %scan3A_77 = arith.constant 4 : i32
    scf.for %scan3A_89 = %scan3A_74 to %scan3A_76 step %scan3A_77  : i32 {
      %broadcast_in_dim3A = vector.broadcast %scan3A_89 : i32 to vector<16xi32>
      %gather3A = tpu.vector_load_idx %arg6[%broadcast_in_dim3A, %get3A_30] : memref<128x512xf32, #tpu.memory_space<vmem>>[vector<16xi32>, vector<16xi32>], vector<16xf32>,
      %mul3A_90 = arith.constant 64 : i32
      %mul3A_91 = arith.muli %scan3A_89, %mul3A_90 : i32
      %swap3A = arith.index_cast %mul3A_91 : i32 to index
      %swap3A_92 = tpu.vector_load %arg7[%swap3A] {strides = array<i32>} : memref<8192xf32, #tpu.memory_space<vmem>>, vector<16xf32>,
      tpu.vector_store %arg7[%swap3A], %gather3A {strides = array<i32>} : memref<8192xf32, #tpu.memory_space<vmem>>, vector<16xf32>,
      %gather3A_93 = tpu.vector_load_idx %arg6[%broadcast_in_dim3A, %get3A_32] : memref<128x512xf32, #tpu.memory_space<vmem>>[vector<16xi32>, vector<16xi32>], vector<16xf32>,
      %mul3A_94 = arith.constant 64 : i32
      %mul3A_95 = arith.muli %scan3A_89, %mul3A_94 : i32
      %add3A_96 = arith.constant 16 : i32
      %add3A_97 = arith.addi %mul3A_95, %add3A_96 : i32
      %swap3A_98 = arith.index_cast %add3A_97 : i32 to index
      %swap3A_99 = tpu.vector_load %arg7[%swap3A_98] {strides = array<i32>} : memref<8192xf32, #tpu.memory_space<vmem>>, vector<16xf32>,
      tpu.vector_store %arg7[%swap3A_98], %gather3A_93 {strides = array<i32>} : memref<8192xf32, #tpu.memory_space<vmem>>, vector<16xf32>,
      %gather3A_100 = tpu.vector_load_idx %arg6[%broadcast_in_dim3A, %get3A_34] : memref<128x512xf32, #tpu.memory_space<vmem>>[vector<16xi32>, vector<16xi32>], vector<16xf32>,
      %mul3A_101 = arith.constant 64 : i32
      %mul3A_102 = arith.muli %scan3A_89, %mul3A_101 : i32
      %add3A_103 = arith.constant 32 : i32
      %add3A_104 = arith.addi %mul3A_102, %add3A_103 : i32
      %swap3A_105 = arith.index_cast %add3A_104 : i32 to index
      %swap3A_106 = tpu.vector_load %arg7[%swap3A_105] {strides = array<i32>} : memref<8192xf32, #tpu.memory_space<vmem>>, vector<16xf32>,
      tpu.vector_store %arg7[%swap3A_105], %gather3A_100 {strides = array<i32>} : memref<8192xf32, #tpu.memory_space<vmem>>, vector<16xf32>,
      %gather3A_107 = tpu.vector_load_idx %arg6[%broadcast_in_dim3A, %get3A_36] : memref<128x512xf32, #tpu.memory_space<vmem>>[vector<16xi32>, vector<16xi32>], vector<16xf32>,
      %mul3A_108 = arith.constant 64 : i32
      %mul3A_109 = arith.muli %scan3A_89, %mul3A_108 : i32
      %add3A_110 = arith.constant 48 : i32
      %add3A_111 = arith.addi %mul3A_109, %add3A_110 : i32
      %swap3A_112 = arith.index_cast %add3A_111 : i32 to index
      %swap3A_113 = tpu.vector_load %arg7[%swap3A_112] {strides = array<i32>} : memref<8192xf32, #tpu.memory_space<vmem>>, vector<16xf32>,
      tpu.vector_store %arg7[%swap3A_112], %gather3A_107 {strides = array<i32>} : memref<8192xf32, #tpu.memory_space<vmem>>, vector<16xf32>,
      %scan3A_114 = arith.constant 1 : i32
      %scan3A_115 = arith.addi %scan3A_89, %scan3A_114 : i32
      %broadcast_in_dim3A_116 = vector.broadcast %scan3A_115 : i32 to vector<16xi32>
      %gather3A_117 = tpu.vector_load_idx %arg6[%broadcast_in_dim3A_116, %get3A_30] : memref<128x512xf32, #tpu.memory_space<vmem>>[vector<16xi32>, vector<16xi32>], vector<16xf32>,
      %mul3A_118 = arith.constant 64 : i32
      %mul3A_119 = arith.muli %scan3A_115, %mul3A_118 : i32
      %swap3A_120 = arith.index_cast %mul3A_119 : i32 to index
      %swap3A_121 = tpu.vector_load %arg7[%swap3A_120] {strides = array<i32>} : memref<8192xf32, #tpu.memory_space<vmem>>, vector<16xf32>,
      tpu.vector_store %arg7[%swap3A_120], %gather3A_117 {strides = array<i32>} : memref<8192xf32, #tpu.memory_space<vmem>>, vector<16xf32>,
      %gather3A_122 = tpu.vector_load_idx %arg6[%broadcast_in_dim3A_116, %get3A_32] : memref<128x512xf32, #tpu.memory_space<vmem>>[vector<16xi32>, vector<16xi32>], vector<16xf32>,
      %mul3A_123 = arith.constant 64 : i32
      %mul3A_124 = arith.muli %scan3A_115, %mul3A_123 : i32
      %add3A_125 = arith.constant 16 : i32
      %add3A_126 = arith.addi %mul3A_124, %add3A_125 : i32
      %swap3A_127 = arith.index_cast %add3A_126 : i32 to index
      %swap3A_128 = tpu.vector_load %arg7[%swap3A_127] {strides = array<i32>} : memref<8192xf32, #tpu.memory_space<vmem>>, vector<16xf32>,
      tpu.vector_store %arg7[%swap3A_127], %gather3A_122 {strides = array<i32>} : memref<8192xf32, #tpu.memory_space<vmem>>, vector<16xf32>,
      %gather3A_129 = tpu.vector_load_idx %arg6[%broadcast_in_dim3A_116, %get3A_34] : memref<128x512xf32, #tpu.memory_space<vmem>>[vector<16xi32>, vector<16xi32>], vector<16xf32>,
      %mul3A_130 = arith.constant 64 : i32
      %mul3A_131 = arith.muli %scan3A_115, %mul3A_130 : i32
      %add3A_132 = arith.constant 32 : i32
      %add3A_133 = arith.addi %mul3A_131, %add3A_132 : i32
      %swap3A_134 = arith.index_cast %add3A_133 : i32 to index
      %swap3A_135 = tpu.vector_load %arg7[%swap3A_134] {strides = array<i32>} : memref<8192xf32, #tpu.memory_space<vmem>>, vector<16xf32>,
      tpu.vector_store %arg7[%swap3A_134], %gather3A_129 {strides = array<i32>} : memref<8192xf32, #tpu.memory_space<vmem>>, vector<16xf32>,
      %gather3A_136 = tpu.vector_load_idx %arg6[%broadcast_in_dim3A_116, %get3A_36] : memref<128x512xf32, #tpu.memory_space<vmem>>[vector<16xi32>, vector<16xi32>], vector<16xf32>,
      %mul3A_137 = arith.constant 64 : i32
      %mul3A_138 = arith.muli %scan3A_115, %mul3A_137 : i32
      %add3A_139 = arith.constant 48 : i32
      %add3A_140 = arith.addi %mul3A_138, %add3A_139 : i32
      %swap3A_141 = arith.index_cast %add3A_140 : i32 to index
      %swap3A_142 = tpu.vector_load %arg7[%swap3A_141] {strides = array<i32>} : memref<8192xf32, #tpu.memory_space<vmem>>, vector<16xf32>,
      tpu.vector_store %arg7[%swap3A_141], %gather3A_136 {strides = array<i32>} : memref<8192xf32, #tpu.memory_space<vmem>>, vector<16xf32>,
      %scan3A_143 = arith.constant 2 : i32
      %scan3A_144 = arith.addi %scan3A_89, %scan3A_143 : i32
      %broadcast_in_dim3A_145 = vector.broadcast %scan3A_144 : i32 to vector<16xi32>
      %gather3A_146 = tpu.vector_load_idx %arg6[%broadcast_in_dim3A_145, %get3A_30] : memref<128x512xf32, #tpu.memory_space<vmem>>[vector<16xi32>, vector<16xi32>], vector<16xf32>,
      %mul3A_147 = arith.constant 64 : i32
      %mul3A_148 = arith.muli %scan3A_144, %mul3A_147 : i32
      %swap3A_149 = arith.index_cast %mul3A_148 : i32 to index
      %swap3A_150 = tpu.vector_load %arg7[%swap3A_149] {strides = array<i32>} : memref<8192xf32, #tpu.memory_space<vmem>>, vector<16xf32>,
      tpu.vector_store %arg7[%swap3A_149], %gather3A_146 {strides = array<i32>} : memref<8192xf32, #tpu.memory_space<vmem>>, vector<16xf32>,
      %gather3A_151 = tpu.vector_load_idx %arg6[%broadcast_in_dim3A_145, %get3A_32] : memref<128x512xf32, #tpu.memory_space<vmem>>[vector<16xi32>, vector<16xi32>], vector<16xf32>,
      %mul3A_152 = arith.constant 64 : i32
      %mul3A_153 = arith.muli %scan3A_144, %mul3A_152 : i32
      %add3A_154 = arith.constant 16 : i32
      %add3A_155 = arith.addi %mul3A_153, %add3A_154 : i32
      %swap3A_156 = arith.index_cast %add3A_155 : i32 to index
      %swap3A_157 = tpu.vector_load %arg7[%swap3A_156] {strides = array<i32>} : memref<8192xf32, #tpu.memory_space<vmem>>, vector<16xf32>,
      tpu.vector_store %arg7[%swap3A_156], %gather3A_151 {strides = array<i32>} : memref<8192xf32, #tpu.memory_space<vmem>>, vector<16xf32>,
      %gather3A_158 = tpu.vector_load_idx %arg6[%broadcast_in_dim3A_145, %get3A_34] : memref<128x512xf32, #tpu.memory_space<vmem>>[vector<16xi32>, vector<16xi32>], vector<16xf32>,
      %mul3A_159 = arith.constant 64 : i32
      %mul3A_160 = arith.muli %scan3A_144, %mul3A_159 : i32
      %add3A_161 = arith.constant 32 : i32
      %add3A_162 = arith.addi %mul3A_160, %add3A_161 : i32
      %swap3A_163 = arith.index_cast %add3A_162 : i32 to index
      %swap3A_164 = tpu.vector_load %arg7[%swap3A_163] {strides = array<i32>} : memref<8192xf32, #tpu.memory_space<vmem>>, vector<16xf32>,
      tpu.vector_store %arg7[%swap3A_163], %gather3A_158 {strides = array<i32>} : memref<8192xf32, #tpu.memory_space<vmem>>, vector<16xf32>,
      %gather3A_165 = tpu.vector_load_idx %arg6[%broadcast_in_dim3A_145, %get3A_36] : memref<128x512xf32, #tpu.memory_space<vmem>>[vector<16xi32>, vector<16xi32>], vector<16xf32>,
      %mul3A_166 = arith.constant 64 : i32
      %mul3A_167 = arith.muli %scan3A_144, %mul3A_166 : i32
      %add3A_168 = arith.constant 48 : i32
      %add3A_169 = arith.addi %mul3A_167, %add3A_168 : i32
      %swap3A_170 = arith.index_cast %add3A_169 : i32 to index
      %swap3A_171 = tpu.vector_load %arg7[%swap3A_170] {strides = array<i32>} : memref<8192xf32, #tpu.memory_space<vmem>>, vector<16xf32>,
      tpu.vector_store %arg7[%swap3A_170], %gather3A_165 {strides = array<i32>} : memref<8192xf32, #tpu.memory_space<vmem>>, vector<16xf32>,
      %scan3A_172 = arith.constant 3 : i32
      %scan3A_173 = arith.addi %scan3A_89, %scan3A_172 : i32
      %broadcast_in_dim3A_174 = vector.broadcast %scan3A_173 : i32 to vector<16xi32>
      %gather3A_175 = tpu.vector_load_idx %arg6[%broadcast_in_dim3A_174, %get3A_30] : memref<128x512xf32, #tpu.memory_space<vmem>>[vector<16xi32>, vector<16xi32>], vector<16xf32>,
      %mul3A_176 = arith.constant 64 : i32
      %mul3A_177 = arith.muli %scan3A_173, %mul3A_176 : i32
      %swap3A_178 = arith.index_cast %mul3A_177 : i32 to index
      %swap3A_179 = tpu.vector_load %arg7[%swap3A_178] {strides = array<i32>} : memref<8192xf32, #tpu.memory_space<vmem>>, vector<16xf32>,
      tpu.vector_store %arg7[%swap3A_178], %gather3A_175 {strides = array<i32>} : memref<8192xf32, #tpu.memory_space<vmem>>, vector<16xf32>,
      %gather3A_180 = tpu.vector_load_idx %arg6[%broadcast_in_dim3A_174, %get3A_32] : memref<128x512xf32, #tpu.memory_space<vmem>>[vector<16xi32>, vector<16xi32>], vector<16xf32>,
      %mul3A_181 = arith.constant 64 : i32
      %mul3A_182 = arith.muli %scan3A_173, %mul3A_181 : i32
      %add3A_183 = arith.constant 16 : i32
      %add3A_184 = arith.addi %mul3A_182, %add3A_183 : i32
      %swap3A_185 = arith.index_cast %add3A_184 : i32 to index
      %swap3A_186 = tpu.vector_load %arg7[%swap3A_185] {strides = array<i32>} : memref<8192xf32, #tpu.memory_space<vmem>>, vector<16xf32>,
      tpu.vector_store %arg7[%swap3A_185], %gather3A_180 {strides = array<i32>} : memref<8192xf32, #tpu.memory_space<vmem>>, vector<16xf32>,
      %gather3A_187 = tpu.vector_load_idx %arg6[%broadcast_in_dim3A_174, %get3A_34] : memref<128x512xf32, #tpu.memory_space<vmem>>[vector<16xi32>, vector<16xi32>], vector<16xf32>,
      %mul3A_188 = arith.constant 64 : i32
      %mul3A_189 = arith.muli %scan3A_173, %mul3A_188 : i32
      %add3A_190 = arith.constant 32 : i32
      %add3A_191 = arith.addi %mul3A_189, %add3A_190 : i32
      %swap3A_192 = arith.index_cast %add3A_191 : i32 to index
      %swap3A_193 = tpu.vector_load %arg7[%swap3A_192] {strides = array<i32>} : memref<8192xf32, #tpu.memory_space<vmem>>, vector<16xf32>,
      tpu.vector_store %arg7[%swap3A_192], %gather3A_187 {strides = array<i32>} : memref<8192xf32, #tpu.memory_space<vmem>>, vector<16xf32>,
      %gather3A_194 = tpu.vector_load_idx %arg6[%broadcast_in_dim3A_174, %get3A_36] : memref<128x512xf32, #tpu.memory_space<vmem>>[vector<16xi32>, vector<16xi32>], vector<16xf32>,
      %mul3A_195 = arith.constant 64 : i32
      %mul3A_196 = arith.muli %scan3A_173, %mul3A_195 : i32
      %add3A_197 = arith.constant 48 : i32
      %add3A_198 = arith.addi %mul3A_196, %add3A_197 : i32
      %swap3A_199 = arith.index_cast %add3A_198 : i32 to index
      %swap3A_200 = tpu.vector_load %arg7[%swap3A_199] {strides = array<i32>} : memref<8192xf32, #tpu.memory_space<vmem>>, vector<16xf32>,
      tpu.vector_store %arg7[%swap3A_199], %gather3A_194 {strides = array<i32>} : memref<8192xf32, #tpu.memory_space<vmem>>, vector<16xf32>,
    }
    %scan3A_78 = arith.constant 64 : i32
    %mul3A_79 = arith.constant 8192 : i32
    %mul3A_80 = arith.muli %add3A, %mul3A_79 : i32
    %add3A_81 = arith.constant 4096 : i32
    %add3A_82 = arith.addi %mul3A_80, %add3A_81 : i32
    "tpu.region"() ({
      %run_scoped3A = tpu.sem_alloc : memref<!tpu.dma_semaphore, #tpu.memory_space<semaphore_mem>>
      %dma_start3A_89 = arith.constant 4096 : i32
      %dma_start3A_90 = tpu.memref_slice %arg7[%dma_start3A_89] : memref<8192xf32, #tpu.memory_space<vmem>> -> memref<4096xf32, #tpu.memory_space<vmem>>
      %dma_start3A_91 = tpu.memref_slice %arg4[%add3A_82] : memref<262144xf32, #tpu.memory_space<hbm>> -> memref<4096xf32, #tpu.memory_space<hbm>>
      %dma_start3A_92 = tpu.memref_slice %arg4[%add3A_82] : memref<262144xf32, #tpu.memory_space<hbm>> -> memref<4096xf32, #tpu.memory_space<hbm>>
      %dma_start3A_93 = arith.constant 4096 : i32
      %dma_start3A_94 = tpu.memref_slice %arg7[%dma_start3A_93] : memref<8192xf32, #tpu.memory_space<vmem>> -> memref<4096xf32, #tpu.memory_space<vmem>>
      tpu.enqueue_dma source(%dma_start3A_94 : memref<4096xf32, #tpu.memory_space<vmem>>) target(%dma_start3A_92 : memref<4096xf32, #tpu.memory_space<hbm>>) target_semaphore(%run_scoped3A : memref<!tpu.dma_semaphore, #tpu.memory_space<semaphore_mem>>)
      %dma_wait3A_95 = arith.constant 4096 : i32
      %dma_wait3A_96 = tpu.memref_slice %arg7[%dma_wait3A_95] : memref<8192xf32, #tpu.memory_space<vmem>> -> memref<4096xf32, #tpu.memory_space<vmem>>
      %dma_wait3A_97 = tpu.memref_slice %arg4[%add3A_82] : memref<262144xf32, #tpu.memory_space<hbm>> -> memref<4096xf32, #tpu.memory_space<hbm>>
      %dma_wait3A_98 = tpu.memref_slice %arg4[%add3A_82] : memref<262144xf32, #tpu.memory_space<hbm>> -> memref<4096xf32, #tpu.memory_space<hbm>>
      %dma_wait3A_99 = arith.constant 4096 : i32
      %dma_wait3A_100 = tpu.memref_slice %arg7[%dma_wait3A_99] : memref<8192xf32, #tpu.memory_space<vmem>> -> memref<4096xf32, #tpu.memory_space<vmem>>
      tpu.wait_dma2 semaphore(%run_scoped3A : memref<!tpu.dma_semaphore, #tpu.memory_space<semaphore_mem>>) src(%dma_wait3A_100 : memref<4096xf32, #tpu.memory_space<vmem>>) dst(%dma_wait3A_98 : memref<4096xf32, #tpu.memory_space<hbm>>)
      tpu.yield
    }) : () -> ()
    %dma_wait3A_83 = arith.constant 0 : i32
    %dma_wait3A_84 = tpu.memref_slice %arg7[%dma_wait3A_83] : memref<8192xf32, #tpu.memory_space<vmem>> -> memref<4096xf32, #tpu.memory_space<vmem>>
    %dma_wait3A_85 = tpu.memref_slice %arg4[%mul3A_54] : memref<262144xf32, #tpu.memory_space<hbm>> -> memref<4096xf32, #tpu.memory_space<hbm>>
    %dma_wait3A_86 = tpu.memref_slice %arg4[%mul3A_54] : memref<262144xf32, #tpu.memory_space<hbm>> -> memref<4096xf32, #tpu.memory_space<hbm>>
    %dma_wait3A_87 = arith.constant 0 : i32
    %dma_wait3A_88 = tpu.memref_slice %arg7[%dma_wait3A_87] : memref<8192xf32, #tpu.memory_space<vmem>> -> memref<4096xf32, #tpu.memory_space<vmem>>
    tpu.wait_dma2 semaphore(%arg10 : memref<!tpu.dma_semaphore, #tpu.memory_space<semaphore_mem>>) src(%dma_wait3A_88 : memref<4096xf32, #tpu.memory_space<vmem>>) dst(%dma_wait3A_86 : memref<4096xf32, #tpu.memory_space<hbm>>)
    return
  }
}

</mosaic_0001>

<sc_bundles>
// kernel: kernel.3.cloned.1.call-start
scs
__scs_entry_jumppad:
0x0: {  	(pc) =	sbr.rel $0x88, $3  }
0x1: {  	(tag) =	ssettag $0x0;
	lr =	simm.s32 $0x1  }
0x2: {  	[smem:$0x3F9F] =	sst lr;
	_ =	strace $0xD0000000  }
0x3: {  	_ = 	snop  }
0x4: {  	_ = 	snop  }
0x5: {  	_ = 	snop  }
0x6: {  	_ = 	snop  }
0x7: {  	_ = 	snop  }
__scs_overlays_trampoline_lowered:
0x8: {  	[smem:$0x3FAE] =	sst s0  }
0x9: {  	[smem:$0x3FAF] =	sst s1  }
0xa: {  	[smem:$0x3FB0] =	sst s2  }
0xb: {  	[smem:$0x3FB1] =	sst s3  }
0xc: {  	[smem:$0x3FB2] =	sst s4  }
0xd: {  	[smem:$0x3FB3] =	sst s5  }
0xe: {  	[smem:$0x3FB4] =	sst s6  }
0xf: {  	[smem:$0x3FB5] =	sst s7  }
0x10: {  	[smem:$0x3FB6] =	sst s8  }
0x11: {  	[smem:$0x3FB7] =	sst s9;
	s0 =	simm.s32 @!p0 $0x0  }
0x12: {  	s1 =	sld [smem:$0x3F9D];
	s0 =	simm.s32 @p0 $0x1  }
0x13: {  	[smem:$0x3FB8] =	sst s0;
	s0 =	simm.s32 @!p1 $0x0  }
0x14: {  	s2 =	sld [smem:$0x3F9C];
	s0 =	simm.s32 @p1 $0x1  }
0x15: {  	[smem:$0x3FB9] =	sst s0;
	s0 =	simm.s32 @!p2 $0x0  }
0x16: {  	s3 =	sld [smem:$0x3FDB];
	s0 =	simm.s32 @p2 $0x1  }
0x17: {  	s4 =	simm.s32 $0x1BF5;
	[smem:$0x3FBB] =	sst s0  }
0x18: {  	s0 =	sld [smem:$0x3F9E];
	_ =	swait.ge [sflag:s4], $0x0  }
0x19: {  	s7 =	sld [smem:$0x3F9F]  }
0x1a: {  	s8 =	sadd.s32 $0xFFFFE003, lr  }
0x1b: {  	s9 =	sadd.s32 $0xFFFFFEF7, lr;
	s5 =	simm.s32 $0xFFFFFFFF;
	p2 =	slt.u32 s8, $0xFFFFF086  }
0x1c: {  	p1 =	slt.u32 s9, $0xF7A;
	s5 =	simm.s32 @!p2 $0x0  }
0x1d: {  	s5 =	simm.s32 @p1 $0x1;
	p0 =	seq.s32 s7, s2  }
0x1e: {  	s7 =	smul.u32 @!p0 $0xF7A, s2;
	p2 =	seq.s32 @!p0 s5, $0x0  }
0x1f: {  	s9 =	smul.u32 $0xF7A, s1;
	s8 =	simm.s32 @!p0 $0x1BF5;
	p2 =	por !p2, p0  }
0x20: {  	[sflag:s8] =	ssyncset.s32 @!p0 $0xFFFFF086;
	s6 =	sadd.s32 @!p0 s3, s7;
	s7 =	simm.s32 @!p0 $0x108  }
0x21: {  	s3 =	sadd.s32 s3, s9;
	s6 =	sadd.s32 @!p0 $0x88, s6;
	s7 =	simm.s32 @p2 $0x1082  }
0x22: {  	[simem:s7], [sflag:s8] =	dma.local @!p0 [hbm:s6], $0xF7A  }
0x23: {  	s9 =	sor.u32 $0xD0000000, s2;
	s6 =	simm.s32 $0x108;
	_ =	swait.ge @!p0 [sflag:s8], $0x0  }
0x24: {  	s3 =	sadd.s32 $0x88, s3;
	s6 =	simm.s32 @!p1 $0x1082;
	[sflag:s4] =	ssyncset.s32 $0xFFFFF086  }
0x25: {  	[simem:s6], [sflag:s4] =	dma.local [hbm:s3], $0xF7A  }
0x26: {  	[smem:$0x3F9F] =	sst s1;
	(tag) =	ssettag s2;
	_ =	strace s9  }
0x27: {  	s1 =	sld [smem:$0x3FAF]  }
0x28: {  	s2 =	sld [smem:$0x3FB0]  }
0x29: {  	s4 =	sld [smem:$0x3FB2]  }
0x2a: {  	p0 =	seq.s32 s5, $0x0;
	s5 =	sld [smem:$0x3FB3]  }
0x2b: {  	s6 =	sld [smem:$0x3FB4]  }
0x2c: {  	s7 =	sld [smem:$0x3FB5]  }
0x2d: {  	s3 =	simm.s32 $0x108;
	s8 =	sld [smem:$0x3FB6]  }
0x2e: {  	s3 =	simm.s32 @!p0 $0x1082;
	s9 =	sld [smem:$0x3FB7]  }
0x2f: {  	lr =	sadd.s32 s0, s3;
	s0 =	sld [smem:$0x3FAE]  }
0x30: {  	s3 =	sld [smem:$0x3FB1]  }
0x31: {  	[smem:$0x3FBA] =	sst s10  }
0x32: {  	s10 =	sld [smem:$0x3FB8];
	_ =	sdelay $0x3  }
0x33: {  	p0 =	seq.s32 s10, $0x1;
	s10 =	sld [smem:$0x3FBA];
	_ =	sdelay $0x3  }
0x34: {  	[smem:$0x3FBA] =	sst s10  }
0x35: {  	s10 =	sld [smem:$0x3FB9];
	_ =	sdelay $0x3  }
0x36: {  	p1 =	seq.s32 s10, $0x1;
	s10 =	sld [smem:$0x3FBA];
	_ =	sdelay $0x3  }
0x37: {  	[smem:$0x3FBA] =	sst s10  }
0x38: {  	s10 =	sld [smem:$0x3FBB]  }
0x39: {  	_ = 	snop;
	(pc) =	sbr.ind lr, $3  }
0x3a: {  	_ = 	snop  }
0x3b: {  	_ = 	snop  }
0x3c: {  	p2 =	seq.s32 s10, $0x1;
	s10 =	sld [smem:$0x3FBA]  }
0x3d: {  	_ =	shalt  }
0x3e: {  	_ =	shalt  }
0x3f: {  	_ =	shalt  }
0x40: {  	_ =	shalt  }
0x41: {  	_ =	shalt  }
0x42: {  	_ =	shalt  }
0x43: {  	_ =	shalt  }
0x44: {  	_ =	shalt  }
0x45: {  	_ =	shalt  }
0x46: {  	_ =	shalt  }
0x47: {  	_ =	shalt  }
0x48: {  	_ =	shalt  }
0x49: {  	_ =	shalt  }
0x4a: {  	_ =	shalt  }
0x4b: {  	_ =	shalt  }
0x4c: {  	_ =	shalt  }
0x4d: {  	_ =	shalt  }
0x4e: {  	_ =	shalt  }
0x4f: {  	_ =	shalt  }
0x50: {  	_ =	shalt  }
0x51: {  	_ =	shalt  }
0x52: {  	_ =	shalt  }
0x53: {  	_ =	shalt  }
0x54: {  	_ =	shalt  }
0x55: {  	_ =	shalt  }
0x56: {  	_ =	shalt  }
0x57: {  	_ =	shalt  }
0x58: {  	_ =	shalt  }
0x59: {  	_ =	shalt  }
0x5a: {  	_ =	shalt  }
0x5b: {  	_ =	shalt  }
0x5c: {  	_ =	shalt  }
0x5d: {  	_ =	shalt  }
0x5e: {  	_ =	shalt  }
0x5f: {  	_ =	shalt  }
0x60: {  	_ =	shalt  }
0x61: {  	_ =	shalt  }
0x62: {  	_ =	shalt  }
0x63: {  	_ =	shalt  }
0x64: {  	_ =	shalt  }
0x65: {  	_ =	shalt  }
0x66: {  	_ =	shalt  }
0x67: {  	_ =	shalt  }
0x68: {  	_ =	shalt  }
0x69: {  	_ =	shalt  }
0x6a: {  	_ =	shalt  }
0x6b: {  	_ =	shalt  }
0x6c: {  	_ =	shalt  }
0x6d: {  	_ =	shalt  }
0x6e: {  	_ =	shalt  }
0x6f: {  	_ =	shalt  }
0x70: {  	_ =	shalt  }
0x71: {  	_ =	shalt  }
0x72: {  	_ =	shalt  }
0x73: {  	_ =	shalt  }
0x74: {  	_ =	shalt  }
0x75: {  	_ =	shalt  }
0x76: {  	_ =	shalt  }
0x77: {  	_ =	shalt  }
0x78: {  	_ =	shalt  }
0x79: {  	_ =	shalt  }
0x7a: {  	_ =	shalt  }
0x7b: {  	_ =	shalt  }
0x7c: {  	_ =	shalt  }
0x7d: {  	_ =	shalt  }
0x7e: {  	_ =	shalt  }
0x7f: {  	_ =	shalt  }
0x80: {  	_ =	shalt  }
0x81: {  	_ =	shalt  }
0x82: {  	_ =	shalt  }
0x83: {  	_ =	shalt  }
0x84: {  	_ =	shalt  }
0x85: {  	_ =	shalt  }
0x86: {  	_ =	shalt  }
0x87: {  	_ =	shalt  }
.Lfunc_end0:
.L_simem_size_0:
called_computation_lowered:
.L_overlay_start_0:
0x88: {  	s2 =	sld [smem:$0x3FD9]  }
0x89: {  	s3 =	sld [smem:$0x3FFE];
	_ =	sdelay $0x1  }
0x8a: {  	s1 =	srdreg.scid  }
0x8b: {  	s0 =	sand.u32 $0x1, s1  }
0x8c: {  	s18 =	sshll.u32 s0, $0xA;
	s2 =	sadd.s32 s3, s2  }
0x8d: {  	s2 =	sadd.s32 s2, s18  }
0x8e: {  	[smem:$0x3FC6] =	sst s2  }
0x8f: {  	_ = 	snop  }
0x90: {  	s2 =	sld [smem:$0x3FC9]  }
0x91: {  	s19 =	sld [smem:$0x3FC8]  }
0x92: {  	s4 =	sld [smem:$0x3FD0];
	(tm) =	ssettm $0x1  }
0x93: {  	s5 =	sld [smem:$0x3FFB];
	_ =	sdelay $0x3  }
0x94: {  	_ =	strace s5  }
0x95: {  	s5 =	sld [smem:$0x3FFC];
	_ =	sdelay $0x3  }
0x96: {  	_ =	strace s5  }
0x97: {  	s5 =	sld [smem:$0x3FFD];
	_ =	sdelay $0x3  }
0x98: {  	_ =	strace s5  }
0x99: {  	_ =	strace $0x8FFFFFFF  }
0x9a: {  	s20 =	sld [smem:$0x3FDB];
	_ =	sdelay $0x1  }
0x9b: {  	s6 =	simm.s32 $_scs_section_size  }
0x9c: {  	s7 =	simm.s32 $_size__tile_overlayer_lowered;
	s8 =	simm.s32 $_tile_overlayer_lowered  }
0x9d: {  	s23 =	simm.s32 $0x1BFF;
	s22 =	sshll.u32 s8, $0x1;
	s5 =	sadd.s32 s6, s20  }
0x9e: {  	s9 =	simm.s32 $0x0;
	s21 =	sshll.u32 s7, $0x1;
	s7 =	sadd.s32 s22, s5  }
0x9f: {  	[timem:s9], [sflag:s23] =	dma.local [hbm:s7], s21  }
0xa0: {  	_ =	swait.ge [sflag:s23], s21  }
0xa1: {  	s6 =	ssub.s32 $0x0, s21;
	[sflag:s23] =	ssyncset.done $0x0  }
0xa2: {  	[sflag:s23] =	ssyncadd.s32 s6;
	_ =	sdelay $0x1  }
0xa3: {  	s24 =	simm.s32 $0x1B8B  }
0xa4: {  	_ =	swait.ge [sflag:s24], $0x1  }
0xa5: {  	[sflag:s24] =	ssyncset.done $0x0  }
0xa6: {  	s25 =	simm.s32 $0x1B8E;
	[sflag:s24] =	ssyncadd.s32 $0xFFFFFFFF  }
0xa7: {  	s26 =	simm.s32 $execute0_lowered;
	[smem:$0x3FD2] =	sst s25  }
0xa8: {  	s6 =	sshll.u32 s26, $0x1;
	_ =	strace $0x80000046;
	[dreg:$0x1] =	wrdreg $0xFFFFFFFF  }
0xa9: {  	s28 =	simm.s32 $_size_execute0_lowered;
	s5 =	sadd.s32 s5, s6;
	[dreg:$0x0] =	wrdreg $0x0  }
0xaa: {  	s6 =	sshll.u32 s28, $0x1;
	[dreg:$0x2] =	wrdreg s5  }
0xab: {  	[dreg:$0x3] =	wrdreg s6  }
0xac: {  	[dreg:$0x4] =	wrdreg $0xC0  }
0xad: {  	_ =	task [dreg:s9], $0x5FFFF  }
0xae: {  	[dreg:$0x1] =	wrdreg $0xFFFFFFFF  }
0xaf: {  	[dreg:$0x0] =	wrdreg $0x60  }
0xb0: {  	[dreg:$0x2] =	wrdreg s2  }
0xb1: {  	[dreg:$0x3] =	wrdreg s19  }
0xb2: {  	[dreg:$0x4] =	wrdreg s4  }
0xb3: {  	[dreg:$0x5] =	wrdreg $0x9  }
0xb4: {  	_ =	task.clear_ibuf [dreg:s9], $0x6FFFF;
	_ =	strace $0x90000046  }
0xb5: {  	s29 =	simm.s32 $0x9;
	_ =	strace $0x80000048  }
0xb6: {  	_ =	swait.ge [sflag:s29], $0x1  }
0xb7: {  	[sflag:s29] =	ssyncadd.s32 $0xFFFFFFFF  }
0xb8: {  	_ =	strace $0x90000048  }
0xb9: {  	_ =	sfence  }
0xba: {  	s30 =	sld [smem:$0x0];
	_ =	sdelay $0x2  }
0xbb: {  	s31 =	sshll.u32 s1, $0xD;
	s1 =	sshrl.u32 s1, $0x2  }
0xbc: {  	s3 =	sand.u32 $0x4000, s31;
	s1 =	sadd.s32 s1, s30  }
0xbd: {  	s0 =	sor.u32 s3, s0;
	s1 =	sshll.u32 s1, $0x11  }
0xbe: {  	s0 =	sor.u32 s1, s0  }
0xbf: {  	s0 =	sadd.s32 $0x8F2B, s0  }
0xc0: {  	[sflag:s0] =	ssyncadd.remote.s32 $0x1  }
0xc1: {  	_ =	sfence.sel $0xFFFF  }
0xc2: {  	[dreg:$0x0] =	wrdreg $0xFFFFFFFF;
	(pc) =	sbr.abs _section_cstart, $3  }
0xc3: {  	[dreg:$0x1] =	wrdreg $0xFFFFFFFF  }
0xc4: {  	_ =	task.clear_ibuf [dreg:s9], $0x2FFFF;
	_ =	strace $0x9FFFFFFF  }
0xc5: {  	(tm) =	ssettm $0x7FFFFFFF  }
tec
execute0_lowered:
.L_overlay_start_1:
0x0: {  	(tag) =	ssettag $0x1  }
0x1: {  	s4 =	rddreg [dreg:$0x0]  }
0x2: {  	s1 =	rddreg [dreg:$0x1]  }
0x3: {  	s5 =	rddreg [dreg:$0x2]  }
0x4: {  	s0 =	rddreg [dreg:$0x3]  }
0x5: {  	s3 =	simm.s32 $0x0;
	s6 =	srdreg.scid;
	s2 =	stileid.u32  }
0x6: {  	s10 =	simm.s32 $0x8080;
	s11 =	simm.s32 $0x4;
	s12 =	simm.s32 $0x1  }
0x7: {  	s13 =	simm.s32 $0x10080;
	s14 =	simm.s32 $0x2;
	s15 =	simm.s32 $0x11080  }
0x8: {  	s16 =	simm.s32 $0x3;
	s17 =	simm.s32 $0x0;
	s6 =	sand.u32 $0x1, s6  }
0x9: {  	[smem:$0x7FF] =	sst s3;
	s7 =	sshll.u32 s2, $0x1;
	s8 =	ssub.s32 $0x2, s6  }
0xa: {  	_ =	strace $0x80000047;
	s6 =	sor.u32 s6, s7;
	s31 =	sshrl.u32 s8, $0x1  }
0xb: {  	s9 =	sshll.u32 s6, $0xD;
	s6 =	sshll.u32 s6, $0xA;
	s8 =	ssub.s32 s8, s31  }
0xc: {  	s4 =	sadd.s32 s4, s9;
	s5 =	sadd.s32 s5, s6;
	s9 =	simm.s32 $0x80  }
0xd: {  	s6 =	sadd.s32 $0x1000, s4;
	s7 =	sadd.s32 $0x200, s5;
	s8 =	smax.u32 s8, $0x1  }
.LBB2_1:
0xe: {  	[tilespmem:s9], [sflag:$0x1] =	stream.linear.gather [hbm4b:s4+s3], $0x8000, $0x38;
	[tilespmem:$0x12080] =	vst v63  }
0xf: {  	_ = 	snop  }
0x10: {  	[tilespmem:s10], [sflag:$0x2] =	stream.linear.gather [hbm4b:s6+s3], $0x8000, $0x38;
	[tilespmem:$0x12080] =	vst v63  }
0x11: {  	_ = 	snop  }
0x12: {  	[tilespmem:s3], [sflag:$0x4] =	stream.linear.gather [hbm4b:s1+s3], $0x80, $0x38;
	[tilespmem:$0x12080] =	vst v63  }
0x13: {  	_ =	swait.ge [sflag:s11], $0x80  }
0x14: {  	[sflag:s11] =	ssyncset.done $0x0  }
0x15: {  	[sflag:s11] =	ssyncadd.s32 $0xFFFFFF80  }
0x16: {  	v1 =	vld [tilespmem:$0x0];
	_ =	sdelay $0x3  }
0x17: {  	v2 =	vmov s3  }
0x18: {  	v3 =	vshll.u32 v2, $0x9;
	v0 =	vshll.u32 v1, $0x3  }
0x19: {  	v2 =	vshll.u32 v2, $0x7;
	v6 =	vand.u32 $0x7000, v3;
	v4 =	vld [tilespmem:$0x10];
	v0 =	vand.u32 $0xFFFFFC00, v0  }
0x1a: {  	v8 =	vand.u32 $0x200, v2;
	v3 =	vadd.s32 v0, v6  }
0x1b: {  	v1 =	vand.u32 $0x7F, v1;
	v2 =	vor.u32 v8, v3  }
0x1c: {  	v5 =	vor.u32 v1, v2  }
0x1d: {  	v7 =	vld [tilespmem:$0x20]  }
0x1e: {  	v9 =	vld [tilespmem:$0x30];
	_ =	swait.ge [sflag:s12], $0x8000;
	v2 =	vshll.u32 v4, $0x3  }
0x1f: {  	[sflag:s12] =	ssyncset.done $0x0;
	v3 =	vand.u32 $0xFFFFFC00, v2  }
0x20: {  	[sflag:s12] =	ssyncadd.s32 $0xFFFF8000;
	v10 =	vadd.s32 v3, v6  }
0x21: {  	v2 =	vand.u32 $0x7F, v4;
	v4 =	vor.u32 v8, v10;
	v10 =	vld.idx.msk [tilespmem:v5+s9+$0x0], $0xffff  }
0x22: {  	v11 =	vor.u32 v2, v4;
	_ =	sdelay $0x1  }
0x23: {  	v4 =	vshll.u32 v7, $0x3  }
0x24: {  	s18 =	simm.s32 $0x10100;
	v5 =	vand.u32 $0xFFFFFC00, v4  }
0x25: {  	v12 =	vadd.s32 v5, v6;
	[tilespmem:s18+$0xFFFFFF80] =	vst v10  }
0x26: {  	v4 =	vand.u32 $0x7F, v7;
	v7 =	vor.u32 v8, v12;
	v10 =	vld.idx.msk [tilespmem:v11+s9+$0x0], $0xffff  }
0x27: {  	v11 =	vor.u32 v4, v7;
	_ =	sdelay $0x1  }
0x28: {  	v7 =	vshll.u32 v9, $0x3  }
0x29: {  	v7 =	vand.u32 $0xFFFFFC00, v7  }
0x2a: {  	v12 =	vadd.s32 v7, v6;
	[tilespmem:s18+$0xFFFFFF90] =	vst v10  }
0x2b: {  	v6 =	vand.u32 $0x7F, v9;
	v8 =	vor.u32 v8, v12;
	v9 =	vld.idx.msk [tilespmem:v11+s9+$0x0], $0xffff  }
0x2c: {  	s19 =	simm.s32 $0x1;
	v8 =	vor.u32 v6, v8  }
0x2d: {  	v10 =	vmov s19  }
0x2e: {  	v11 =	vshll.u32 v10, $0x9  }
0x2f: {  	v10 =	vshll.u32 v10, $0x7;
	v11 =	vand.u32 $0x7000, v11  }
0x30: {  	v10 =	vand.u32 $0x280, v10;
	[tilespmem:s18+$0xFFFFFFA0] =	vst v9;
	v9 =	vadd.s32 v0, v11  }
0x31: {  	v8 =	vld.idx.msk [tilespmem:v8+s9+$0x0], $0xffff;
	v9 =	vor.u32 v10, v9  }
0x32: {  	v9 =	vor.u32 v1, v9;
	_ =	sdelay $0x3  }
0x33: {  	v12 =	vadd.s32 v3, v11;
	[tilespmem:s18+$0xFFFFFFB0] =	vst v8  }
0x34: {  	v8 =	vor.u32 v10, v12;
	v9 =	vld.idx.msk [tilespmem:v9+s9+$0x0], $0xffff  }
0x35: {  	v8 =	vor.u32 v2, v8;
	_ =	sdelay $0x3  }
0x36: {  	v12 =	vadd.s32 v5, v11;
	[tilespmem:s18+$0xFFFFFFC0] =	vst v9  }
0x37: {  	v9 =	vor.u32 v10, v12;
	v8 =	vld.idx.msk [tilespmem:v8+s9+$0x0], $0xffff  }
0x38: {  	v9 =	vor.u32 v4, v9;
	_ =	sdelay $0x1  }
0x39: {  	s26 =	simm.s32 $0x40  }
0x3a: {  	s20 =	sor.u32 $0x50, s26  }
0x3b: {  	v11 =	vadd.s32 v7, v11;
	[tilespmem:s20+$0x10080] =	vst v8  }
0x3c: {  	v8 =	vor.u32 v10, v11;
	v9 =	vld.idx.msk [tilespmem:v9+s9+$0x0], $0xffff  }
0x3d: {  	s28 =	simm.s32 $0x2;
	v8 =	vor.u32 v6, v8  }
0x3e: {  	v10 =	vmov s28  }
0x3f: {  	v11 =	vshll.u32 v10, $0x9  }
0x40: {  	s29 =	sor.u32 $0x60, s26;
	v10 =	vshll.u32 v10, $0x7;
	v11 =	vand.u32 $0x7000, v11  }
0x41: {  	v10 =	vand.u32 $0x300, v10;
	[tilespmem:s29+$0x10080] =	vst v9;
	v9 =	vadd.s32 v0, v11  }
0x42: {  	v8 =	vld.idx.msk [tilespmem:v8+s9+$0x0], $0xffff;
	v9 =	vor.u32 v10, v9  }
0x43: {  	v9 =	vor.u32 v1, v9;
	_ =	sdelay $0x2  }
0x44: {  	s19 =	sor.u32 $0x70, s26  }
0x45: {  	v12 =	vadd.s32 v3, v11;
	[tilespmem:s19+$0x10080] =	vst v8  }
0x46: {  	v8 =	vor.u32 v10, v12;
	v9 =	vld.idx.msk [tilespmem:v9+s9+$0x0], $0xffff  }
0x47: {  	v8 =	vor.u32 v2, v8;
	_ =	sdelay $0x3  }
0x48: {  	v12 =	vadd.s32 v5, v11;
	[tilespmem:s18+$0x0] =	vst v9  }
0x49: {  	v9 =	vor.u32 v10, v12;
	v8 =	vld.idx.msk [tilespmem:v8+s9+$0x0], $0xffff  }
0x4a: {  	v9 =	vor.u32 v4, v9;
	_ =	sdelay $0x3  }
0x4b: {  	v11 =	vadd.s32 v7, v11;
	[tilespmem:s18+$0x10] =	vst v8  }
0x4c: {  	v8 =	vor.u32 v10, v11;
	v9 =	vld.idx.msk [tilespmem:v9+s9+$0x0], $0xffff  }
0x4d: {  	s30 =	simm.s32 $0x3;
	v8 =	vor.u32 v6, v8  }
0x4e: {  	v10 =	vmov s30  }
0x4f: {  	v11 =	vshll.u32 v10, $0x9  }
0x50: {  	v10 =	vshll.u32 v10, $0x7;
	v11 =	vand.u32 $0x7000, v11  }
0x51: {  	v10 =	vand.u32 $0x380, v10;
	[tilespmem:s18+$0x20] =	vst v9;
	v9 =	vadd.s32 v0, v11  }
0x52: {  	v8 =	vld.idx.msk [tilespmem:v8+s9+$0x0], $0xffff;
	v9 =	vor.u32 v10, v9  }
0x53: {  	v9 =	vor.u32 v1, v9;
	_ =	sdelay $0x3  }
0x54: {  	v12 =	vadd.s32 v3, v11;
	[tilespmem:s18+$0x30] =	vst v8  }
0x55: {  	v8 =	vor.u32 v10, v12;
	v9 =	vld.idx.msk [tilespmem:v9+s9+$0x0], $0xffff  }
0x56: {  	v8 =	vor.u32 v2, v8;
	_ =	sdelay $0x3  }
0x57: {  	v12 =	vadd.s32 v5, v11;
	[tilespmem:s18+$0x40] =	vst v9  }
0x58: {  	v9 =	vor.u32 v10, v12;
	v8 =	vld.idx.msk [tilespmem:v8+s9+$0x0], $0xffff  }
0x59: {  	v9 =	vor.u32 v4, v9;
	_ =	sdelay $0x1  }
0x5a: {  	s20 =	simm.s32 $0xC0  }
0x5b: {  	s21 =	sor.u32 $0x50, s20  }
0x5c: {  	v11 =	vadd.s32 v7, v11;
	[tilespmem:s21+$0x10080] =	vst v8  }
0x5d: {  	v8 =	vor.u32 v10, v11;
	v9 =	vld.idx.msk [tilespmem:v9+s9+$0x0], $0xffff  }
0x5e: {  	s19 =	simm.s32 $0x4;
	v8 =	vor.u32 v6, v8  }
0x5f: {  	v10 =	vmov s19  }
0x60: {  	v11 =	vshll.u32 v10, $0x9  }
0x61: {  	s31 =	sor.u32 $0x60, s20;
	v10 =	vshll.u32 v10, $0x7;
	v11 =	vand.u32 $0x7000, v11  }
0x62: {  	v13 =	vand.u32 $0x200, v10;
	v12 =	vadd.s32 v0, v11;
	[tilespmem:s31+$0x10080] =	vst v9  }
0x63: {  	v10 =	vadd.s32 v3, v11;
	v14 =	vor.u32 v13, v12;
	v12 =	vld.idx.msk [tilespmem:v8+s9+$0x0], $0xffff  }
0x64: {  	v15 =	vadd.s32 v7, v11;
	v9 =	vadd.s32 v5, v11;
	v11 =	vor.u32 v1, v14;
	_ =	sdelay $0x1  }
0x65: {  	s23 =	simm.s32 $0x8;
	s22 =	sor.u32 $0x70, s20;
	v10 =	vor.u32 v13, v10;
	v9 =	vor.u32 v13, v9;
	v8 =	vor.u32 v13, v15  }
.LBB2_2:
0x66: {  	s20 =	sadd.s32 $0x100, s20  }
0x67: {  	[tilespmem:s22+$0x10080] =	vst v12;
	s18 =	sadd.s32 $0x100, s18;
	s22 =	smov.u32 s23;
	s21 =	sadd.s32 $0x4, s23  }
0x68: {  	p0 =	slt.u32 s23, $0x3C;
	v11 =	vld.idx.msk [tilespmem:v11+s9+$0x0], $0xffff;
	_ =	sdelay $0x1  }
0x69: {  	v10 =	vor.u32 v2, v10;
	_ =	sdelay $0x3  }
0x6a: {  	[tilespmem:s18+$0xFFFFFF80] =	vst v11  }
0x6b: {  	v10 =	vld.idx.msk [tilespmem:v10+s9+$0x0], $0xffff;
	_ =	sdelay $0x1  }
0x6c: {  	v9 =	vor.u32 v4, v9;
	_ =	sdelay $0x3  }
0x6d: {  	[tilespmem:s18+$0xFFFFFF90] =	vst v10  }
0x6e: {  	v9 =	vld.idx.msk [tilespmem:v9+s9+$0x0], $0xffff;
	_ =	sdelay $0x1  }
0x6f: {  	v8 =	vor.u32 v6, v8  }
0x70: {  	s23 =	sadd.s32 $0x1, s19  }
0x71: {  	v10 =	vmov s23  }
0x72: {  	v11 =	vshll.u32 v10, $0x9;
	v10 =	vshll.u32 v10, $0x7  }
0x73: {  	[tilespmem:s18+$0xFFFFFFA0] =	vst v9;
	v9 =	vand.u32 $0x7000, v11  }
0x74: {  	v10 =	vand.u32 $0x280, v10;
	v8 =	vld.idx.msk [tilespmem:v8+s9+$0x0], $0xffff;
	v11 =	vadd.s32 v0, v9;
	v12 =	vadd.s32 v3, v9  }
0x75: {  	v13 =	vadd.s32 v5, v9;
	v11 =	vor.u32 v10, v11;
	v12 =	vor.u32 v10, v12  }
0x76: {  	v9 =	vadd.s32 v7, v9;
	v13 =	vor.u32 v10, v13;
	v11 =	vor.u32 v1, v11  }
0x77: {  	v9 =	vor.u32 v10, v9;
	_ =	sdelay $0x2  }
0x78: {  	[tilespmem:s18+$0xFFFFFFB0] =	vst v8  }
0x79: {  	v8 =	vld.idx.msk [tilespmem:v11+s9+$0x0], $0xffff;
	_ =	sdelay $0x1  }
0x7a: {  	v10 =	vor.u32 v2, v12;
	_ =	sdelay $0x3  }
0x7b: {  	[tilespmem:s18+$0xFFFFFFC0] =	vst v8  }
0x7c: {  	v8 =	vld.idx.msk [tilespmem:v10+s9+$0x0], $0xffff;
	_ =	sdelay $0x1  }
0x7d: {  	v10 =	vor.u32 v4, v13;
	_ =	sdelay $0x1  }
0x7e: {  	s23 =	sadd.s32 $0xFFFFFF80, s20  }
0x7f: {  	s24 =	sor.u32 $0x50, s23  }
0x80: {  	[tilespmem:s24+$0x10080] =	vst v8  }
0x81: {  	v8 =	vld.idx.msk [tilespmem:v10+s9+$0x0], $0xffff;
	_ =	sdelay $0x1  }
0x82: {  	v9 =	vor.u32 v6, v9  }
0x83: {  	s24 =	sadd.s32 $0x2, s19  }
0x84: {  	v10 =	vmov s24  }
0x85: {  	s24 =	sor.u32 $0x60, s23;
	v11 =	vshll.u32 v10, $0x9;
	v10 =	vshll.u32 v10, $0x7  }
0x86: {  	[tilespmem:s24+$0x10080] =	vst v8;
	v8 =	vand.u32 $0x7000, v11  }
0x87: {  	v10 =	vand.u32 $0x300, v10;
	v9 =	vld.idx.msk [tilespmem:v9+s9+$0x0], $0xffff;
	v11 =	vadd.s32 v0, v8;
	v12 =	vadd.s32 v3, v8  }
0x88: {  	v13 =	vadd.s32 v5, v8;
	v11 =	vor.u32 v10, v11;
	v12 =	vor.u32 v10, v12  }
0x89: {  	v8 =	vadd.s32 v7, v8;
	v13 =	vor.u32 v10, v13;
	v11 =	vor.u32 v1, v11  }
0x8a: {  	v8 =	vor.u32 v10, v8;
	_ =	sdelay $0x1  }
0x8b: {  	s23 =	sor.u32 $0x70, s23  }
0x8c: {  	[tilespmem:s23+$0x10080] =	vst v9  }
0x8d: {  	v9 =	vld.idx.msk [tilespmem:v11+s9+$0x0], $0xffff;
	_ =	sdelay $0x1  }
0x8e: {  	v10 =	vor.u32 v2, v12;
	_ =	sdelay $0x3  }
0x8f: {  	[tilespmem:s18+$0x0] =	vst v9  }
0x90: {  	v9 =	vld.idx.msk [tilespmem:v10+s9+$0x0], $0xffff;
	_ =	sdelay $0x1  }
0x91: {  	v10 =	vor.u32 v4, v13;
	_ =	sdelay $0x3  }
0x92: {  	[tilespmem:s18+$0x10] =	vst v9  }
0x93: {  	v9 =	vld.idx.msk [tilespmem:v10+s9+$0x0], $0xffff;
	_ =	sdelay $0x1  }
0x94: {  	v8 =	vor.u32 v6, v8  }
0x95: {  	s23 =	sadd.s32 $0x3, s19;
	s19 =	smov.u32 s22  }
0x96: {  	v10 =	vmov s23  }
0x97: {  	v11 =	vshll.u32 v10, $0x9;
	v10 =	vshll.u32 v10, $0x7  }
0x98: {  	[tilespmem:s18+$0x20] =	vst v9;
	v9 =	vand.u32 $0x7000, v11  }
0x99: {  	v10 =	vand.u32 $0x380, v10;
	v8 =	vld.idx.msk [tilespmem:v8+s9+$0x0], $0xffff;
	v11 =	vadd.s32 v0, v9;
	v12 =	vadd.s32 v3, v9  }
0x9a: {  	v13 =	vadd.s32 v5, v9;
	v11 =	vor.u32 v10, v11;
	v12 =	vor.u32 v10, v12  }
0x9b: {  	v9 =	vadd.s32 v7, v9;
	v13 =	vor.u32 v10, v13;
	v11 =	vor.u32 v1, v11  }
0x9c: {  	v9 =	vor.u32 v10, v9;
	_ =	sdelay $0x2  }
0x9d: {  	[tilespmem:s18+$0x30] =	vst v8  }
0x9e: {  	v8 =	vld.idx.msk [tilespmem:v11+s9+$0x0], $0xffff;
	_ =	sdelay $0x1  }
0x9f: {  	v10 =	vor.u32 v2, v12;
	_ =	sdelay $0x3  }
0xa0: {  	[tilespmem:s18+$0x40] =	vst v8  }
0xa1: {  	v8 =	vld.idx.msk [tilespmem:v10+s9+$0x0], $0xffff;
	_ =	sdelay $0x1  }
0xa2: {  	v10 =	vor.u32 v4, v13;
	_ =	sdelay $0x2  }
0xa3: {  	s22 =	sor.u32 $0x50, s20  }
0xa4: {  	[tilespmem:s22+$0x10080] =	vst v8  }
0xa5: {  	v8 =	vld.idx.msk [tilespmem:v10+s9+$0x0], $0xffff;
	_ =	sdelay $0x1  }
0xa6: {  	v9 =	vor.u32 v6, v9;
	_ =	sdelay $0x1  }
0xa7: {  	v10 =	vmov s19  }
0xa8: {  	s22 =	sor.u32 $0x60, s20;
	v11 =	vshll.u32 v10, $0x9;
	v10 =	vshll.u32 v10, $0x7  }
0xa9: {  	v13 =	vand.u32 $0x7000, v11;
	[tilespmem:s22+$0x10080] =	vst v8  }
0xaa: {  	v14 =	vand.u32 $0x200, v10;
	v10 =	vadd.s32 v3, v13;
	v8 =	vadd.s32 v0, v13;
	v12 =	vld.idx.msk [tilespmem:v9+s9+$0x0], $0xffff  }
.Ltmp0:
0xab: {  	v10 =	vor.u32 v14, v10;
	v8 =	vor.u32 v14, v8;
	v9 =	vadd.s32 v5, v13;
	(pc) =	sbr.rel @p0 .LBB2_2-.Ltmp0, $3  }
0xac: {  	v11 =	vor.u32 v1, v8;
	v9 =	vor.u32 v14, v9;
	v8 =	vadd.s32 v7, v13  }
0xad: {  	v8 =	vor.u32 v14, v8;
	_ =	sdelay $0x1  }
0xae: {  	s23 =	smov.u32 s21;
	s22 =	sor.u32 $0x70, s20  }
0xaf: {  	_ =	sdelay $0x2  }
0xb0: {  	[tilespmem:s22+$0x10080] =	vst v12  }
0xb1: {  	v11 =	vld.idx.msk [tilespmem:v11+s9+$0x0], $0xffff  }
0xb2: {  	v10 =	vor.u32 v2, v10;
	_ =	sdelay $0x2  }
0xb3: {  	s18 =	sadd.s32 $0x100, s18  }
0xb4: {  	[tilespmem:s18+$0xFFFFFF80] =	vst v11  }
0xb5: {  	v10 =	vld.idx.msk [tilespmem:v10+s9+$0x0], $0xffff  }
0xb6: {  	v9 =	vor.u32 v4, v9;
	_ =	sdelay $0x3  }
0xb7: {  	[tilespmem:s18+$0xFFFFFF90] =	vst v10  }
0xb8: {  	v9 =	vld.idx.msk [tilespmem:v9+s9+$0x0], $0xffff  }
0xb9: {  	v8 =	vor.u32 v6, v8;
	s21 =	sadd.s32 $0x1, s19  }
0xba: {  	v10 =	vmov s21  }
0xbb: {  	v11 =	vshll.u32 v10, $0x9  }
0xbc: {  	v10 =	vshll.u32 v10, $0x7;
	v11 =	vand.u32 $0x7000, v11  }
0xbd: {  	v10 =	vand.u32 $0x280, v10;
	[tilespmem:s18+$0xFFFFFFA0] =	vst v9;
	v9 =	vadd.s32 v0, v11  }
0xbe: {  	v8 =	vld.idx.msk [tilespmem:v8+s9+$0x0], $0xffff;
	v9 =	vor.u32 v10, v9  }
0xbf: {  	v9 =	vor.u32 v1, v9;
	_ =	sdelay $0x3  }
0xc0: {  	v12 =	vadd.s32 v3, v11;
	[tilespmem:s18+$0xFFFFFFB0] =	vst v8  }
0xc1: {  	v8 =	vor.u32 v10, v12;
	v9 =	vld.idx.msk [tilespmem:v9+s9+$0x0], $0xffff  }
0xc2: {  	v8 =	vor.u32 v2, v8;
	_ =	sdelay $0x3  }
0xc3: {  	v12 =	vadd.s32 v5, v11;
	[tilespmem:s18+$0xFFFFFFC0] =	vst v9  }
0xc4: {  	v9 =	vor.u32 v10, v12;
	v8 =	vld.idx.msk [tilespmem:v8+s9+$0x0], $0xffff  }
0xc5: {  	v9 =	vor.u32 v4, v9  }
0xc6: {  	s20 =	sadd.s32 $0x100, s20  }
0xc7: {  	s25 =	sadd.s32 $0xFFFFFF80, s20  }
0xc8: {  	s26 =	sor.u32 $0x50, s25  }
0xc9: {  	v11 =	vadd.s32 v7, v11;
	[tilespmem:s26+$0x10080] =	vst v8  }
0xca: {  	v8 =	vor.u32 v10, v11;
	v9 =	vld.idx.msk [tilespmem:v9+s9+$0x0], $0xffff  }
0xcb: {  	s28 =	sadd.s32 $0x2, s19;
	v8 =	vor.u32 v6, v8  }
0xcc: {  	v10 =	vmov s28  }
0xcd: {  	v11 =	vshll.u32 v10, $0x9  }
0xce: {  	s29 =	sor.u32 $0x60, s25;
	v10 =	vshll.u32 v10, $0x7;
	v11 =	vand.u32 $0x7000, v11  }
0xcf: {  	v10 =	vand.u32 $0x300, v10;
	[tilespmem:s29+$0x10080] =	vst v9;
	v9 =	vadd.s32 v0, v11  }
0xd0: {  	v8 =	vld.idx.msk [tilespmem:v8+s9+$0x0], $0xffff;
	v9 =	vor.u32 v10, v9  }
0xd1: {  	v9 =	vor.u32 v1, v9;
	_ =	sdelay $0x2  }
0xd2: {  	s21 =	sor.u32 $0x70, s25  }
0xd3: {  	v12 =	vadd.s32 v3, v11;
	[tilespmem:s21+$0x10080] =	vst v8  }
0xd4: {  	v8 =	vor.u32 v10, v12;
	v9 =	vld.idx.msk [tilespmem:v9+s9+$0x0], $0xffff  }
0xd5: {  	v8 =	vor.u32 v2, v8;
	_ =	sdelay $0x3  }
0xd6: {  	v12 =	vadd.s32 v5, v11;
	[tilespmem:s18+$0x0] =	vst v9  }
0xd7: {  	v9 =	vor.u32 v10, v12;
	v8 =	vld.idx.msk [tilespmem:v8+s9+$0x0], $0xffff  }
0xd8: {  	v9 =	vor.u32 v4, v9;
	_ =	sdelay $0x3  }
0xd9: {  	v11 =	vadd.s32 v7, v11;
	[tilespmem:s18+$0x10] =	vst v8  }
0xda: {  	v8 =	vor.u32 v10, v11;
	v9 =	vld.idx.msk [tilespmem:v9+s9+$0x0], $0xffff  }
0xdb: {  	s30 =	sadd.s32 $0x3, s19;
	v8 =	vor.u32 v6, v8  }
0xdc: {  	v10 =	vmov s30  }
0xdd: {  	v11 =	vshll.u32 v10, $0x9  }
0xde: {  	v10 =	vshll.u32 v10, $0x7;
	v11 =	vand.u32 $0x7000, v11  }
0xdf: {  	v10 =	vand.u32 $0x380, v10;
	[tilespmem:s18+$0x20] =	vst v9;
	v9 =	vadd.s32 v0, v11  }
0xe0: {  	v8 =	vld.idx.msk [tilespmem:v8+s9+$0x0], $0xffff;
	v9 =	vor.u32 v10, v9  }
0xe1: {  	v9 =	vor.u32 v1, v9;
	_ =	sdelay $0x3  }
0xe2: {  	v12 =	vadd.s32 v3, v11;
	[tilespmem:s18+$0x30] =	vst v8  }
0xe3: {  	v8 =	vor.u32 v10, v12;
	v9 =	vld.idx.msk [tilespmem:v9+s9+$0x0], $0xffff  }
0xe4: {  	v8 =	vor.u32 v2, v8;
	_ =	sdelay $0x3  }
0xe5: {  	v12 =	vadd.s32 v5, v11;
	[tilespmem:s18+$0x40] =	vst v9  }
0xe6: {  	v9 =	vor.u32 v10, v12;
	v8 =	vld.idx.msk [tilespmem:v8+s9+$0x0], $0xffff  }
0xe7: {  	v9 =	vor.u32 v4, v9;
	_ =	sdelay $0x2  }
0xe8: {  	s31 =	sor.u32 $0x50, s20  }
0xe9: {  	v11 =	vadd.s32 v7, v11;
	[tilespmem:s31+$0x10080] =	vst v8  }
0xea: {  	v8 =	vor.u32 v10, v11;
	v9 =	vld.idx.msk [tilespmem:v9+s9+$0x0], $0xffff  }
0xeb: {  	v8 =	vor.u32 v6, v8;
	_ =	sdelay $0x2  }
0xec: {  	s19 =	sor.u32 $0x60, s20  }
0xed: {  	s21 =	simm.s32 $0x40;
	[tilespmem:s19+$0x10080] =	vst v9  }
0xee: {  	v9 =	vmov s21;
	v8 =	vld.idx.msk [tilespmem:v8+s9+$0x0], $0xffff  }
0xef: {  	v10 =	vshll.u32 v9, $0x9  }
0xf0: {  	v9 =	vshll.u32 v9, $0x7;
	v10 =	vand.u32 $0xF000, v10  }
0xf1: {  	v9 =	vand.u32 $0x200, v9;
	v11 =	vadd.s32 v0, v10  }
0xf2: {  	s22 =	sor.u32 $0x70, s20;
	v11 =	vor.u32 v9, v11  }
0xf3: {  	[tilespmem:s22+$0x10080] =	vst v8;
	v8 =	vor.u32 v1, v11  }
0xf4: {  	[hbm4b:s5+s3] =	stream.linear.scatter [tilespmem:s13], [sflag:$0x3], $0x1000, $0x38;
	[tilespmem:$0x12080] =	vst v63  }
0xf5: {  	_ =	swait.ge [sflag:s14], $0x8000  }
0xf6: {  	[sflag:s14] =	ssyncset.done $0x0  }
0xf7: {  	v11 =	vadd.s32 v3, v10;
	[sflag:s14] =	ssyncadd.s32 $0xFFFF8000  }
0xf8: {  	v11 =	vor.u32 v9, v11;
	v8 =	vld.idx.msk [tilespmem:v8+s9+$0x0], $0xffff  }
0xf9: {  	v11 =	vor.u32 v2, v11;
	_ =	sdelay $0x2  }
0xfa: {  	s18 =	simm.s32 $0x11140  }
0xfb: {  	v12 =	vadd.s32 v5, v10;
	[tilespmem:s18+$0xFFFFFF40] =	vst v8  }
0xfc: {  	v8 =	vor.u32 v9, v12;
	v11 =	vld.idx.msk [tilespmem:v11+s9+$0x0], $0xffff  }
0xfd: {  	v8 =	vor.u32 v4, v8;
	_ =	sdelay $0x3  }
0xfe: {  	v10 =	vadd.s32 v7, v10;
	[tilespmem:s18+$0xFFFFFF50] =	vst v11  }
0xff: {  	v9 =	vor.u32 v9, v10;
	v8 =	vld.idx.msk [tilespmem:v8+s9+$0x0], $0xffff  }
0x100: {  	s23 =	simm.s32 $0x41;
	v9 =	vor.u32 v6, v9  }
0x101: {  	v10 =	vmov s23  }
0x102: {  	v11 =	vshll.u32 v10, $0x9  }
0x103: {  	v10 =	vshll.u32 v10, $0x7;
	v11 =	vand.u32 $0xF000, v11  }
0x104: {  	v10 =	vand.u32 $0x280, v10;
	[tilespmem:s18+$0xFFFFFF60] =	vst v8;
	v8 =	vadd.s32 v0, v11  }
0x105: {  	v9 =	vld.idx.msk [tilespmem:v9+s9+$0x0], $0xffff;
	v8 =	vor.u32 v10, v8  }
0x106: {  	v8 =	vor.u32 v1, v8;
	_ =	sdelay $0x3  }
0x107: {  	v12 =	vadd.s32 v3, v11;
	[tilespmem:s18+$0xFFFFFF70] =	vst v9  }
0x108: {  	v9 =	vor.u32 v10, v12;
	v8 =	vld.idx.msk [tilespmem:v8+s9+$0x0], $0xffff  }
0x109: {  	v9 =	vor.u32 v2, v9;
	_ =	sdelay $0x3  }
0x10a: {  	v12 =	vadd.s32 v5, v11;
	[tilespmem:s18+$0xFFFFFF80] =	vst v8  }
0x10b: {  	v8 =	vor.u32 v10, v12;
	v9 =	vld.idx.msk [tilespmem:v9+s9+$0x0], $0xffff  }
0x10c: {  	v8 =	vor.u32 v4, v8;
	_ =	sdelay $0x1  }
0x10d: {  	s24 =	simm.s32 $0x1040  }
0x10e: {  	s25 =	sor.u32 $0x50, s24  }
0x10f: {  	v11 =	vadd.s32 v7, v11;
	[tilespmem:s25+$0x10080] =	vst v9  }
0x110: {  	v9 =	vor.u32 v10, v11;
	v8 =	vld.idx.msk [tilespmem:v8+s9+$0x0], $0xffff  }
0x111: {  	s26 =	simm.s32 $0x42;
	v9 =	vor.u32 v6, v9  }
0x112: {  	v10 =	vmov s26  }
0x113: {  	v11 =	vshll.u32 v10, $0x9  }
0x114: {  	s28 =	sor.u32 $0x60, s24;
	v10 =	vshll.u32 v10, $0x7;
	v11 =	vand.u32 $0xF000, v11  }
0x115: {  	v10 =	vand.u32 $0x300, v10;
	[tilespmem:s28+$0x10080] =	vst v8;
	v8 =	vadd.s32 v0, v11  }
0x116: {  	v9 =	vld.idx.msk [tilespmem:v9+s9+$0x0], $0xffff;
	v8 =	vor.u32 v10, v8  }
0x117: {  	v8 =	vor.u32 v1, v8;
	_ =	sdelay $0x2  }
0x118: {  	s19 =	sor.u32 $0x70, s24  }
0x119: {  	v12 =	vadd.s32 v3, v11;
	[tilespmem:s19+$0x10080] =	vst v9  }
0x11a: {  	v9 =	vor.u32 v10, v12;
	v8 =	vld.idx.msk [tilespmem:v8+s9+$0x0], $0xffff  }
0x11b: {  	v9 =	vor.u32 v2, v9;
	_ =	sdelay $0x3  }
0x11c: {  	v12 =	vadd.s32 v5, v11;
	[tilespmem:s18+$0xFFFFFFC0] =	vst v8  }
0x11d: {  	v8 =	vor.u32 v10, v12;
	v9 =	vld.idx.msk [tilespmem:v9+s9+$0x0], $0xffff  }
0x11e: {  	v8 =	vor.u32 v4, v8;
	_ =	sdelay $0x3  }
0x11f: {  	v11 =	vadd.s32 v7, v11;
	[tilespmem:s18+$0xFFFFFFD0] =	vst v9  }
0x120: {  	v9 =	vor.u32 v10, v11;
	v8 =	vld.idx.msk [tilespmem:v8+s9+$0x0], $0xffff  }
0x121: {  	s29 =	simm.s32 $0x43;
	v9 =	vor.u32 v6, v9  }
0x122: {  	v10 =	vmov s29  }
0x123: {  	v11 =	vshll.u32 v10, $0x9  }
0x124: {  	v10 =	vshll.u32 v10, $0x7;
	v11 =	vand.u32 $0xF000, v11  }
0x125: {  	v10 =	vand.u32 $0x380, v10;
	[tilespmem:s18+$0xFFFFFFE0] =	vst v8;
	v8 =	vadd.s32 v0, v11  }
0x126: {  	v9 =	vld.idx.msk [tilespmem:v9+s9+$0x0], $0xffff;
	v8 =	vor.u32 v10, v8  }
0x127: {  	v8 =	vor.u32 v1, v8;
	_ =	sdelay $0x3  }
0x128: {  	v12 =	vadd.s32 v3, v11;
	[tilespmem:s18+$0xFFFFFFF0] =	vst v9  }
0x129: {  	v9 =	vor.u32 v10, v12;
	v8 =	vld.idx.msk [tilespmem:v8+s9+$0x0], $0xffff  }
0x12a: {  	v9 =	vor.u32 v2, v9;
	_ =	sdelay $0x3  }
0x12b: {  	v12 =	vadd.s32 v5, v11;
	[tilespmem:s18+$0x0] =	vst v8  }
0x12c: {  	v8 =	vor.u32 v10, v12;
	v9 =	vld.idx.msk [tilespmem:v9+s9+$0x0], $0xffff  }
0x12d: {  	v8 =	vor.u32 v4, v8;
	_ =	sdelay $0x1  }
0x12e: {  	s20 =	simm.s32 $0x10C0  }
0x12f: {  	s30 =	sor.u32 $0x50, s20  }
0x130: {  	v11 =	vadd.s32 v7, v11;
	[tilespmem:s30+$0x10080] =	vst v9  }
0x131: {  	v9 =	vor.u32 v10, v11;
	v8 =	vld.idx.msk [tilespmem:v8+s9+$0x0], $0xffff  }
0x132: {  	s19 =	simm.s32 $0x44;
	v9 =	vor.u32 v6, v9  }
0x133: {  	v10 =	vmov s19  }
0x134: {  	v11 =	vshll.u32 v10, $0x9  }
0x135: {  	s31 =	sor.u32 $0x60, s20;
	v10 =	vshll.u32 v10, $0x7;
	v11 =	vand.u32 $0xF000, v11  }
0x136: {  	v13 =	vand.u32 $0x200, v10;
	v12 =	vadd.s32 v0, v11;
	[tilespmem:s31+$0x10080] =	vst v8  }
0x137: {  	v10 =	vadd.s32 v3, v11;
	v14 =	vor.u32 v13, v12;
	v12 =	vld.idx.msk [tilespmem:v9+s9+$0x0], $0xffff  }
0x138: {  	v15 =	vadd.s32 v7, v11;
	v8 =	vadd.s32 v5, v11;
	v11 =	vor.u32 v1, v14;
	_ =	sdelay $0x1  }
0x139: {  	s22 =	sor.u32 $0x70, s20;
	s23 =	simm.s32 $0x48;
	v10 =	vor.u32 v13, v10;
	v9 =	vor.u32 v13, v8;
	v8 =	vor.u32 v13, v15  }
.LBB2_4:
0x13a: {  	s20 =	sadd.s32 $0x100, s20  }
0x13b: {  	[tilespmem:s22+$0x10080] =	vst v12;
	s18 =	sadd.s32 $0x100, s18;
	s22 =	smov.u32 s23;
	s21 =	sadd.s32 $0x4, s23  }
0x13c: {  	p0 =	slt.u32 s23, $0x7C;
	v11 =	vld.idx.msk [tilespmem:v11+s9+$0x0], $0xffff;
	_ =	sdelay $0x1  }
0x13d: {  	v10 =	vor.u32 v2, v10;
	_ =	sdelay $0x3  }
0x13e: {  	[tilespmem:s18+$0xFFFFFF40] =	vst v11  }
0x13f: {  	v10 =	vld.idx.msk [tilespmem:v10+s9+$0x0], $0xffff;
	_ =	sdelay $0x1  }
0x140: {  	v9 =	vor.u32 v4, v9;
	_ =	sdelay $0x3  }
0x141: {  	[tilespmem:s18+$0xFFFFFF50] =	vst v10  }
0x142: {  	v9 =	vld.idx.msk [tilespmem:v9+s9+$0x0], $0xffff;
	_ =	sdelay $0x1  }
0x143: {  	v8 =	vor.u32 v6, v8  }
0x144: {  	s23 =	sadd.s32 $0x1, s19  }
0x145: {  	v10 =	vmov s23  }
0x146: {  	v11 =	vshll.u32 v10, $0x9;
	v10 =	vshll.u32 v10, $0x7  }
0x147: {  	[tilespmem:s18+$0xFFFFFF60] =	vst v9;
	v9 =	vand.u32 $0xF000, v11  }
0x148: {  	v10 =	vand.u32 $0x280, v10;
	v8 =	vld.idx.msk [tilespmem:v8+s9+$0x0], $0xffff;
	v11 =	vadd.s32 v0, v9;
	v12 =	vadd.s32 v3, v9  }
0x149: {  	v13 =	vadd.s32 v5, v9;
	v11 =	vor.u32 v10, v11;
	v12 =	vor.u32 v10, v12  }
0x14a: {  	v9 =	vadd.s32 v7, v9;
	v13 =	vor.u32 v10, v13;
	v11 =	vor.u32 v1, v11  }
0x14b: {  	v9 =	vor.u32 v10, v9;
	_ =	sdelay $0x2  }
0x14c: {  	[tilespmem:s18+$0xFFFFFF70] =	vst v8  }
0x14d: {  	v8 =	vld.idx.msk [tilespmem:v11+s9+$0x0], $0xffff;
	_ =	sdelay $0x1  }
0x14e: {  	v10 =	vor.u32 v2, v12;
	_ =	sdelay $0x3  }
0x14f: {  	[tilespmem:s18+$0xFFFFFF80] =	vst v8  }
0x150: {  	v8 =	vld.idx.msk [tilespmem:v10+s9+$0x0], $0xffff;
	_ =	sdelay $0x1  }
0x151: {  	v10 =	vor.u32 v4, v13;
	_ =	sdelay $0x1  }
0x152: {  	s23 =	sadd.s32 $0xFFFFFF80, s20  }
0x153: {  	s24 =	sor.u32 $0x50, s23  }
0x154: {  	[tilespmem:s24+$0x10080] =	vst v8  }
0x155: {  	v8 =	vld.idx.msk [tilespmem:v10+s9+$0x0], $0xffff;
	_ =	sdelay $0x1  }
0x156: {  	v9 =	vor.u32 v6, v9  }
0x157: {  	s24 =	sadd.s32 $0x2, s19  }
0x158: {  	v10 =	vmov s24  }
0x159: {  	s24 =	sor.u32 $0x60, s23;
	v11 =	vshll.u32 v10, $0x9;
	v10 =	vshll.u32 v10, $0x7  }
0x15a: {  	[tilespmem:s24+$0x10080] =	vst v8;
	v8 =	vand.u32 $0xF000, v11  }
0x15b: {  	v10 =	vand.u32 $0x300, v10;
	v9 =	vld.idx.msk [tilespmem:v9+s9+$0x0], $0xffff;
	v11 =	vadd.s32 v0, v8;
	v12 =	vadd.s32 v3, v8  }
0x15c: {  	v13 =	vadd.s32 v5, v8;
	v11 =	vor.u32 v10, v11;
	v12 =	vor.u32 v10, v12  }
0x15d: {  	v8 =	vadd.s32 v7, v8;
	v13 =	vor.u32 v10, v13;
	v11 =	vor.u32 v1, v11  }
0x15e: {  	v8 =	vor.u32 v10, v8;
	_ =	sdelay $0x1  }
0x15f: {  	s23 =	sor.u32 $0x70, s23  }
0x160: {  	[tilespmem:s23+$0x10080] =	vst v9  }
0x161: {  	v9 =	vld.idx.msk [tilespmem:v11+s9+$0x0], $0xffff;
	_ =	sdelay $0x1  }
0x162: {  	v10 =	vor.u32 v2, v12;
	_ =	sdelay $0x3  }
0x163: {  	[tilespmem:s18+$0xFFFFFFC0] =	vst v9  }
0x164: {  	v9 =	vld.idx.msk [tilespmem:v10+s9+$0x0], $0xffff;
	_ =	sdelay $0x1  }
0x165: {  	v10 =	vor.u32 v4, v13;
	_ =	sdelay $0x3  }
0x166: {  	[tilespmem:s18+$0xFFFFFFD0] =	vst v9  }
0x167: {  	v9 =	vld.idx.msk [tilespmem:v10+s9+$0x0], $0xffff;
	_ =	sdelay $0x1  }
0x168: {  	v8 =	vor.u32 v6, v8  }
0x169: {  	s23 =	sadd.s32 $0x3, s19;
	s19 =	smov.u32 s22  }
0x16a: {  	v10 =	vmov s23  }
0x16b: {  	v11 =	vshll.u32 v10, $0x9;
	v10 =	vshll.u32 v10, $0x7  }
0x16c: {  	[tilespmem:s18+$0xFFFFFFE0] =	vst v9;
	v9 =	vand.u32 $0xF000, v11  }
0x16d: {  	v10 =	vand.u32 $0x380, v10;
	v8 =	vld.idx.msk [tilespmem:v8+s9+$0x0], $0xffff;
	v11 =	vadd.s32 v0, v9;
	v12 =	vadd.s32 v3, v9  }
0x16e: {  	v13 =	vadd.s32 v5, v9;
	v11 =	vor.u32 v10, v11;
	v12 =	vor.u32 v10, v12  }
0x16f: {  	v9 =	vadd.s32 v7, v9;
	v13 =	vor.u32 v10, v13;
	v11 =	vor.u32 v1, v11  }
0x170: {  	v9 =	vor.u32 v10, v9;
	_ =	sdelay $0x2  }
0x171: {  	[tilespmem:s18+$0xFFFFFFF0] =	vst v8  }
0x172: {  	v8 =	vld.idx.msk [tilespmem:v11+s9+$0x0], $0xffff;
	_ =	sdelay $0x1  }
0x173: {  	v10 =	vor.u32 v2, v12;
	_ =	sdelay $0x3  }
0x174: {  	[tilespmem:s18+$0x0] =	vst v8  }
0x175: {  	v8 =	vld.idx.msk [tilespmem:v10+s9+$0x0], $0xffff;
	_ =	sdelay $0x1  }
0x176: {  	v10 =	vor.u32 v4, v13;
	_ =	sdelay $0x2  }
0x177: {  	s22 =	sor.u32 $0x50, s20  }
0x178: {  	[tilespmem:s22+$0x10080] =	vst v8  }
0x179: {  	v8 =	vld.idx.msk [tilespmem:v10+s9+$0x0], $0xffff;
	_ =	sdelay $0x1  }
0x17a: {  	v9 =	vor.u32 v6, v9;
	_ =	sdelay $0x1  }
0x17b: {  	v10 =	vmov s19  }
0x17c: {  	s22 =	sor.u32 $0x60, s20;
	v11 =	vshll.u32 v10, $0x9;
	v10 =	vshll.u32 v10, $0x7  }
0x17d: {  	v13 =	vand.u32 $0xF000, v11;
	[tilespmem:s22+$0x10080] =	vst v8  }
0x17e: {  	v14 =	vand.u32 $0x200, v10;
	v10 =	vadd.s32 v3, v13;
	v8 =	vadd.s32 v0, v13;
	v12 =	vld.idx.msk [tilespmem:v9+s9+$0x0], $0xffff  }
.Ltmp1:
0x17f: {  	v10 =	vor.u32 v14, v10;
	v8 =	vor.u32 v14, v8;
	v9 =	vadd.s32 v5, v13;
	(pc) =	sbr.rel @p0 .LBB2_4-.Ltmp1, $3  }
0x180: {  	v11 =	vor.u32 v1, v8;
	v9 =	vor.u32 v14, v9;
	v8 =	vadd.s32 v7, v13  }
0x181: {  	v8 =	vor.u32 v14, v8;
	_ =	sdelay $0x1  }
0x182: {  	s23 =	smov.u32 s21;
	s22 =	sor.u32 $0x70, s20  }
0x183: {  	_ =	sdelay $0x2  }
0x184: {  	[tilespmem:s22+$0x10080] =	vst v12  }
0x185: {  	v11 =	vld.idx.msk [tilespmem:v11+s9+$0x0], $0xffff  }
0x186: {  	v10 =	vor.u32 v2, v10;
	_ =	sdelay $0x2  }
0x187: {  	s18 =	sadd.s32 $0x100, s18  }
0x188: {  	[tilespmem:s18+$0xFFFFFF40] =	vst v11  }
0x189: {  	v10 =	vld.idx.msk [tilespmem:v10+s9+$0x0], $0xffff  }
0x18a: {  	v9 =	vor.u32 v4, v9;
	_ =	sdelay $0x3  }
0x18b: {  	[tilespmem:s18+$0xFFFFFF50] =	vst v10  }
0x18c: {  	v9 =	vld.idx.msk [tilespmem:v9+s9+$0x0], $0xffff  }
0x18d: {  	v8 =	vor.u32 v6, v8;
	s21 =	sadd.s32 $0x1, s19  }
0x18e: {  	v39 =	vmov s21  }
0x18f: {  	v40 =	vshll.u32 v39, $0x9  }
0x190: {  	v11 =	vand.u32 $0xF000, v40;
	v10 =	vshll.u32 v39, $0x7  }
0x191: {  	v41 =	vadd.s32 v0, v11;
	v10 =	vand.u32 $0x280, v10;
	[tilespmem:s18+$0xFFFFFF60] =	vst v9  }
0x192: {  	v9 =	vor.u32 v10, v41;
	v8 =	vld.idx.msk [tilespmem:v8+s9+$0x0], $0xffff  }
0x193: {  	v9 =	vor.u32 v1, v9;
	_ =	sdelay $0x3  }
0x194: {  	v42 =	vadd.s32 v3, v11;
	[tilespmem:s18+$0xFFFFFF70] =	vst v8  }
0x195: {  	v43 =	vor.u32 v10, v42;
	v9 =	vld.idx.msk [tilespmem:v9+s9+$0x0], $0xffff  }
0x196: {  	v8 =	vor.u32 v2, v43;
	_ =	sdelay $0x3  }
0x197: {  	v44 =	vadd.s32 v5, v11;
	[tilespmem:s18+$0xFFFFFF80] =	vst v9  }
0x198: {  	v45 =	vor.u32 v10, v44;
	v8 =	vld.idx.msk [tilespmem:v8+s9+$0x0], $0xffff  }
0x199: {  	v9 =	vor.u32 v4, v45  }
0x19a: {  	s20 =	sadd.s32 $0x100, s20  }
0x19b: {  	s23 =	sadd.s32 $0xFFFFFF80, s20  }
0x19c: {  	s24 =	sor.u32 $0x50, s23  }
0x19d: {  	v11 =	vadd.s32 v7, v11;
	[tilespmem:s24+$0x10080] =	vst v8  }
0x19e: {  	v46 =	vor.u32 v10, v11;
	v9 =	vld.idx.msk [tilespmem:v9+s9+$0x0], $0xffff  }
0x19f: {  	s25 =	sadd.s32 $0x2, s19;
	v8 =	vor.u32 v6, v46  }
0x1a0: {  	v47 =	vmov s25  }
0x1a1: {  	v48 =	vshll.u32 v47, $0x9  }
0x1a2: {  	s26 =	sor.u32 $0x60, s23;
	v11 =	vand.u32 $0xF000, v48;
	v10 =	vshll.u32 v47, $0x7  }
0x1a3: {  	v49 =	vadd.s32 v0, v11;
	v10 =	vand.u32 $0x300, v10;
	[tilespmem:s26+$0x10080] =	vst v9  }
0x1a4: {  	v9 =	vor.u32 v10, v49;
	v8 =	vld.idx.msk [tilespmem:v8+s9+$0x0], $0xffff  }
0x1a5: {  	v9 =	vor.u32 v1, v9;
	_ =	sdelay $0x2  }
0x1a6: {  	s21 =	sor.u32 $0x70, s23  }
0x1a7: {  	v50 =	vadd.s32 v3, v11;
	[tilespmem:s21+$0x10080] =	vst v8  }
0x1a8: {  	v51 =	vor.u32 v10, v50;
	v9 =	vld.idx.msk [tilespmem:v9+s9+$0x0], $0xffff  }
0x1a9: {  	v8 =	vor.u32 v2, v51;
	_ =	sdelay $0x3  }
0x1aa: {  	v52 =	vadd.s32 v5, v11;
	[tilespmem:s18+$0xFFFFFFC0] =	vst v9  }
0x1ab: {  	v53 =	vor.u32 v10, v52;
	v8 =	vld.idx.msk [tilespmem:v8+s9+$0x0], $0xffff  }
0x1ac: {  	v9 =	vor.u32 v4, v53;
	_ =	sdelay $0x3  }
0x1ad: {  	v11 =	vadd.s32 v7, v11;
	[tilespmem:s18+$0xFFFFFFD0] =	vst v8  }
0x1ae: {  	v54 =	vor.u32 v10, v11;
	v9 =	vld.idx.msk [tilespmem:v9+s9+$0x0], $0xffff  }
0x1af: {  	s28 =	sadd.s32 $0x3, s19;
	v8 =	vor.u32 v6, v54  }
0x1b0: {  	v55 =	vmov s28  }
0x1b1: {  	v56 =	vshll.u32 v55, $0x9  }
0x1b2: {  	v11 =	vand.u32 $0xF000, v56;
	v10 =	vshll.u32 v55, $0x7  }
0x1b3: {  	v57 =	vadd.s32 v0, v11;
	v58 =	vand.u32 $0x380, v10;
	[tilespmem:s18+$0xFFFFFFE0] =	vst v9  }
0x1b4: {  	v0 =	vor.u32 v58, v57;
	v8 =	vld.idx.msk [tilespmem:v8+s9+$0x0], $0xffff  }
0x1b5: {  	v0 =	vor.u32 v1, v0;
	_ =	sdelay $0x3  }
0x1b6: {  	v59 =	vadd.s32 v3, v11;
	[tilespmem:s18+$0xFFFFFFF0] =	vst v8  }
0x1b7: {  	v1 =	vor.u32 v58, v59;
	v0 =	vld.idx.msk [tilespmem:v0+s9+$0x0], $0xffff  }
0x1b8: {  	v1 =	vor.u32 v2, v1;
	_ =	sdelay $0x3  }
0x1b9: {  	v60 =	vadd.s32 v5, v11;
	[tilespmem:s18+$0x0] =	vst v0  }
0x1ba: {  	v61 =	vor.u32 v58, v60;
	v1 =	vld.idx.msk [tilespmem:v1+s9+$0x0], $0xffff  }
0x1bb: {  	v0 =	vor.u32 v4, v61;
	_ =	sdelay $0x2  }
0x1bc: {  	s29 =	sor.u32 $0x50, s20  }
0x1bd: {  	v62 =	vadd.s32 v7, v11;
	[tilespmem:s29+$0x10080] =	vst v1  }
0x1be: {  	v63 =	vor.u32 v58, v62;
	v0 =	vld.idx.msk [tilespmem:v0+s9+$0x0], $0xffff  }
0x1bf: {  	v1 =	vor.u32 v6, v63;
	_ =	sdelay $0x2  }
0x1c0: {  	s30 =	sor.u32 $0x60, s20  }
0x1c1: {  	[tilespmem:s30+$0x10080] =	vst v0  }
0x1c2: {  	v0 =	vld.idx.msk [tilespmem:v1+s9+$0x0], $0xffff;
	_ =	sdelay $0x3  }
0x1c3: {  	s31 =	sor.u32 $0x70, s20  }
0x1c4: {  	s17 =	sadd.s32 $0x1, s17;
	[tilespmem:s31+$0x10080] =	vst v0  }
0x1c5: {  	[hbm4b:s7+s3] =	stream.linear.scatter [tilespmem:s15], [sflag:$0x4], $0x1000, $0x38;
	[tilespmem:$0x12080] =	vst v63  }
0x1c6: {  	p0 =	sne.s32 s17, s8;
	_ =	swait.ge [sflag:s11], $0x1000  }
.Ltmp2:
0x1c7: {  	[sflag:s11] =	ssyncset.done $0x0;
	(pc) =	sbr.rel @p0 .LBB2_1-.Ltmp2, $4  }
0x1c8: {  	[sflag:s11] =	ssyncadd.s32 $0xFFFFF000  }
0x1c9: {  	_ =	swait.ge [sflag:s16], $0x1000  }
0x1ca: {  	[sflag:s16] =	ssyncset.done $0x0  }
0x1cb: {  	[sflag:s16] =	ssyncadd.s32 $0xFFFFF000  }
0x1cc: {  	_ =	sfence.sel $0x180000  }
0x1cd: {  	[bflag:$0x0] =	sbarrier.arrive $0xFFFF  }
0x1ce: {  	p0 =	sne.s32 s2, $0x0;
	_ =	strace $0x90000047  }
0x1cf: {  	s0 =	sadd.s32 @!p0 $0x100000, s0;
	[bflag:$0x2] =	sbarrier.arrive $0xFFFF  }
0x1d0: {  	[sflag:s0] =	ssyncadd.tile.s32 @!p0 $0x1;
	_ =	shalt  }
.Lfunc_end2:
_tile_overlayer_lowered:
.L_overlay_start_2:
0x1d1: {  	(tag) =	ssettag $0x2  }
0x1d2: {  	s0 =	rddreg [dreg:$0x0];
	s2 =	stileid.u32  }
0x1d3: {  	s1 =	rddreg [dreg:$0x1];
	p0 =	sne.s32 s2, $0x0  }
0x1d4: {  	s3 =	rddreg [dreg:$0x2];
	[bflag:$0x3] =	sbarrier.arrive $0xFFFF;
	s2 =	simm.s32 @!p0 $0x1C04  }
0x1d5: {  	[timem:s3], [sflag:s2] =	dma.local @!p0 [hbm:s0], s1  }
0x1d6: {  	s0 =	simm.s32 @!p0 $0x4  }
0x1d7: {  	_ =	swait.ge @!p0 [sflag:s0], s1  }
0x1d8: {  	s1 =	ssub.s32 @!p0 $0x0, s1;
	[sflag:s0] =	ssyncset.done @!p0 $0x0  }
0x1d9: {  	[sflag:s0] =	ssyncadd.s32 @!p0 s1  }
0x1da: {  	[bflag:$0x3] =	sbarrier.arrive $0xFFFF  }
0x1db: {  	_ =	shalt  }

</sc_bundles>
